<compile_context>
chip_gen: v7x
topology: tpu7x:2x2x1
jax: 0.10.2.dev20260603
libtpu: 0.0.44.dev20260713+nightly
codegen_flags: <defaults>
</compile_context>

<pallas_src>
import functools

import jax
import jax.numpy as jnp
from jax import lax
from jax.experimental import pallas as pl
from jax.experimental.pallas import tpu as pltpu
from jax.experimental.pallas import tpu_sc as plsc

CLS = 100
CLS_PAD = 128
FEAT = 128
BATCH = 16384
LAM = 0.1

NC = 2
NS = 16
NW = NC * NS
B_BIN = BATCH // NS

NBLK = 8
BLK = BATCH // NBLK


@functools.partial(
    pl.kernel,
    out_type=jax.ShapeDtypeStruct((NW, CLS_PAD), jnp.float32),
    mesh=plsc.VectorSubcoreMesh(core_axis_name="c", subcore_axis_name="s"),
    compiler_params=pltpu.CompilerParams(needs_layout_passes=False),
    scratch_types=[
        pltpu.VMEM((B_BIN + 16,), jnp.int32),
        pltpu.VMEM((B_BIN,), jnp.float32),
        pltpu.VMEM((CLS_PAD,), jnp.float32),
        pltpu.VMEM((NS, CLS_PAD), jnp.float32),
        pltpu.VMEM_SHARED((NS, CLS_PAD), jnp.float32),
        pltpu.SemaphoreType.DMA,
    ],
)
def _count_kernel(tgt_hbm, out_hbm, bin_v, fbin_v, cnt_v, sums_v,
                  shared_cnt, semb):
    sid = lax.axis_index("s")
    wid = sid * NC + lax.axis_index("c")

    bcopy = pltpu.async_copy(tgt_hbm.at[pl.ds(sid * B_BIN, B_BIN)],
                             fbin_v, semb)
    for c in range(CLS_PAD // 16):
        cnt_v[pl.ds(16 * c, 16)] = jnp.zeros((16,), jnp.float32)
    bcopy.wait()
    for g in range(B_BIN // 16):
        bin_v[pl.ds(16 * g, 16)] = fbin_v[pl.ds(16 * g, 16)].astype(jnp.int32)

    def bin_body(g, carry):
        t16 = bin_v[pl.ds(16 * g, 16)]
        cnt, last = plsc.scan_count(t16)
        plsc.addupdate_scatter(cnt_v, [t16], cnt.astype(jnp.float32),
                               mask=last)
        return carry

    lax.fori_loop(0, B_BIN // 16, bin_body, 0, unroll=4)

    pltpu.sync_copy(cnt_v, shared_cnt.at[sid])
    plsc.subcore_barrier()
    pltpu.sync_copy(shared_cnt, sums_v)
    for c in range(CLS_PAD // 16):
        tot = sums_v[0, pl.ds(16 * c, 16)]
        for r in range(1, NS):
            tot = tot + sums_v[r, pl.ds(16 * c, 16)]
        cnt_v[pl.ds(16 * c, 16)] = tot
    pltpu.sync_copy(cnt_v, out_hbm.at[wid])


def _tc_body(feat_ref, tgt_ref, anc_ref, out_ref, s_acc, ns_acc):
    i = pl.program_id(0)

    @pl.when(i == 0)
    def _init():
        s_acc[...] = jnp.zeros_like(s_acc)
        ns_acc[...] = jnp.zeros_like(ns_acc)

    f = feat_ref[0]
    t = tgt_ref[0]
    cls_iota = lax.broadcasted_iota(jnp.int32, (BLK, CLS_PAD), 1)
    onehot = (t.reshape(BLK, 1).astype(jnp.int32) == cls_iota).astype(
        jnp.float32)
    s_acc[...] += lax.dot_general(
        onehot, f, (((0,), (0,)), ((), ())),
        preferred_element_type=jnp.float32)
    n = jnp.sum(f * f, axis=1, keepdims=True)
    ns_acc[...] += lax.dot_general(
        n, onehot, (((0,), (0,)), ((), ())),
        preferred_element_type=jnp.float32)

    @pl.when(i == NBLK - 1)
    def _fin():
        anc = anc_ref[...]
        out_ref[0, :] = ns_acc[0, :]
        out_ref[1, :] = jnp.sum(s_acc[...] * anc, axis=1)
        out_ref[2, :] = jnp.sum(anc * anc, axis=1)


_tc_kernel = pl.pallas_call(
    _tc_body,
    grid=(NBLK,),
    in_specs=[
        pl.BlockSpec((1, BLK, FEAT), lambda i: (i, 0, 0)),
        pl.BlockSpec((1, 1, BLK), lambda i: (i, 0, 0)),
        pl.BlockSpec((CLS_PAD, FEAT), lambda i: (0, 0)),
    ],
    out_specs=pl.BlockSpec((3, CLS_PAD), lambda i: (0, 0)),
    out_shape=jax.ShapeDtypeStruct((3, CLS_PAD), jnp.float32),
    scratch_shapes=[
        pltpu.VMEM((CLS_PAD, FEAT), jnp.float32),
        pltpu.VMEM((1, CLS_PAD), jnp.float32),
    ],
    compiler_params=pltpu.CompilerParams(
        dimension_semantics=("arbitrary",)),
)


def kernel(feature, _target, anchor):
    counts = _count_kernel(_target)[0]
    anc = jnp.pad(anchor, ((0, CLS_PAD - CLS), (0, 0)))
    terms = _tc_kernel(
        feature.reshape(NBLK, BLK, FEAT),
        _target.reshape(NBLK, 1, BLK),
        anc)
    wts = jnp.where(counts > 0, 1.0 / counts, 0.0)
    ns, dotv, na = terms[0], terms[1], terms[2]
    loss = (jnp.sum(ns * wts) - 2.0 * jnp.sum(dotv * wts)
            + jnp.sum(jnp.where(counts > 0, na, 0.0)))
    return (LAM / CLS) * loss

# --- scband reference (transcript-rebuilt; emitter-appended) ---
"""Pipeline reference for scband-anchor-loss-17428977287342 (READ-ONLY COPY).

The authoritative reference and input builder live on the scoring server;
editing this copy changes nothing except your own understanding.
"""

import jax, jax.numpy as jnp
import numpy as np

CLS_NUM = 100
FEATURE_NUM = 128
BATCH = 16384


def setup_inputs(seed: int = 0) -> dict:
    key = jax.random.key(seed)
    k1, k2, k3 = jax.random.split(key, 3)
    feature = jax.random.normal(k1, (BATCH, FEATURE_NUM), dtype=jnp.float32)
    # _target is float-valued class ids (torch.histc requires float input)
    _target = jax.random.randint(k2, (BATCH,), 0, CLS_NUM).astype(jnp.float32)
    # anchor init (ablation=0, cls_num <= feature_num): random rows of identity
    eye = jnp.eye(FEATURE_NUM, dtype=jnp.float32)
    sel = jax.random.permutation(k3, FEATURE_NUM)[:CLS_NUM]
    anchor = jnp.take(eye, sel, axis=0)
    return {"feature": feature, "_target": _target, "anchor": anchor}


def reference(feature, _target, anchor):
    Lambda = 0.1
    idx = _target.astype(jnp.int32)
    # centre = anchor.index_select(0, target)
    centre = jnp.take(anchor, idx, axis=0)
    # torch.histc(_target, bins=cls_num, min=0, max=cls_num-1) on integer-valued
    # targets in [0, cls_num) is exactly a per-class bincount
    counter = jnp.bincount(idx, length=CLS_NUM)
    count = jnp.take(counter, idx)
    centre_dis = feature - centre
    pow_ = centre_dis ** 2
    sum_1 = jnp.sum(pow_, axis=1)
    dis_ = sum_1 / count.astype(jnp.float32)
    sum_2 = jnp.sum(dis_) / CLS_NUM
    res = Lambda * sum_2
    return res

if __name__ == "__main__":
    import jax
    _d = setup_inputs()
    print(jax.jit(kernel)(*tuple(_d.values())))

</pallas_src>

<mosaic_0001>
#map = affine_map<(d0, d1) -> (0)>
#map1 = affine_map<(d0, d1) -> (0, 0)>
module attributes {stable_mosaic.version = 14 : i64} {
  func.func @_count_kernel(%arg0: i32, %arg1: i32, %arg2: memref<16384xf32, #tpu.memory_space<hbm>>, %arg3: memref<32x128xf32, #tpu.memory_space<hbm>>, %arg4: memref<1040xi32, #tpu.memory_space<vmem>>, %arg5: memref<1024xf32, #tpu.memory_space<vmem>>, %arg6: memref<128xf32, #tpu.memory_space<vmem>>, %arg7: memref<16x128xf32, #tpu.memory_space<vmem>>, %arg8: memref<16x128xf32, #tpu.memory_space<vmem_shared>>, %arg9: memref<!tpu.dma_semaphore, #tpu.memory_space<semaphore_mem>>) attributes {dimension_semantics = [#tpu.dimension_semantics<core_parallel>, #tpu.dimension_semantics<subcore_parallel>], iteration_bounds = array<i64: 2, 16>, scalar_prefetch = 0 : i64, scratch_operands = 6 : i64, tpu.core_type = #tpu.core_type<sc_vector_subcore>, window_params = [{transform_indices = #map}, {transform_indices = #map1}]} {
    %mul3A = arith.constant 2 : i32
    %mul3A_0 = arith.muli %arg1, %mul3A : i32
    %add3A = arith.addi %mul3A_0, %arg0 : i32
    %mul3A_1 = arith.constant 1024 : i32
    %mul3A_2 = arith.muli %arg1, %mul3A_1 : i32
    %dma_start3A = tpu.memref_slice %arg2[%mul3A_2] : memref<16384xf32, #tpu.memory_space<hbm>> -> memref<1024xf32, #tpu.memory_space<hbm>>
    %dma_start3A_3 = tpu.memref_slice %arg2[%mul3A_2] : memref<16384xf32, #tpu.memory_space<hbm>> -> memref<1024xf32, #tpu.memory_space<hbm>>
    tpu.enqueue_dma source(%dma_start3A_3 : memref<1024xf32, #tpu.memory_space<hbm>>) target(%arg5 : memref<1024xf32, #tpu.memory_space<vmem>>) target_semaphore(%arg9 : memref<!tpu.dma_semaphore, #tpu.memory_space<semaphore_mem>>)
    %broadcast_in_dim3A = arith.constant 0.000000e+00 : f32
    %broadcast_in_dim3A_4 = vector.broadcast %broadcast_in_dim3A : f32 to vector<16xf32>
    %swap3A = arith.constant 0 : index
    %swap3A_5 = tpu.vector_load %arg6[%swap3A] {strides = array<i32>} : memref<128xf32, #tpu.memory_space<vmem>>, vector<16xf32>,
    tpu.vector_store %arg6[%swap3A], %broadcast_in_dim3A_4 {strides = array<i32>} : memref<128xf32, #tpu.memory_space<vmem>>, vector<16xf32>,
    %broadcast_in_dim3A_6 = arith.constant 0.000000e+00 : f32
    %broadcast_in_dim3A_7 = vector.broadcast %broadcast_in_dim3A_6 : f32 to vector<16xf32>
    %swap3A_8 = arith.constant 16 : index
    %swap3A_9 = tpu.vector_load %arg6[%swap3A_8] {strides = array<i32>} : memref<128xf32, #tpu.memory_space<vmem>>, vector<16xf32>,
    tpu.vector_store %arg6[%swap3A_8], %broadcast_in_dim3A_7 {strides = array<i32>} : memref<128xf32, #tpu.memory_space<vmem>>, vector<16xf32>,
    %broadcast_in_dim3A_10 = arith.constant 0.000000e+00 : f32
    %broadcast_in_dim3A_11 = vector.broadcast %broadcast_in_dim3A_10 : f32 to vector<16xf32>
    %swap3A_12 = arith.constant 32 : index
    %swap3A_13 = tpu.vector_load %arg6[%swap3A_12] {strides = array<i32>} : memref<128xf32, #tpu.memory_space<vmem>>, vector<16xf32>,
    tpu.vector_store %arg6[%swap3A_12], %broadcast_in_dim3A_11 {strides = array<i32>} : memref<128xf32, #tpu.memory_space<vmem>>, vector<16xf32>,
    %broadcast_in_dim3A_14 = arith.constant 0.000000e+00 : f32
    %broadcast_in_dim3A_15 = vector.broadcast %broadcast_in_dim3A_14 : f32 to vector<16xf32>
    %swap3A_16 = arith.constant 48 : index
    %swap3A_17 = tpu.vector_load %arg6[%swap3A_16] {strides = array<i32>} : memref<128xf32, #tpu.memory_space<vmem>>, vector<16xf32>,
    tpu.vector_store %arg6[%swap3A_16], %broadcast_in_dim3A_15 {strides = array<i32>} : memref<128xf32, #tpu.memory_space<vmem>>, vector<16xf32>,
    %broadcast_in_dim3A_18 = arith.constant 0.000000e+00 : f32
    %broadcast_in_dim3A_19 = vector.broadcast %broadcast_in_dim3A_18 : f32 to vector<16xf32>
    %swap3A_20 = arith.constant 64 : index
    %swap3A_21 = tpu.vector_load %arg6[%swap3A_20] {strides = array<i32>} : memref<128xf32, #tpu.memory_space<vmem>>, vector<16xf32>,
    tpu.vector_store %arg6[%swap3A_20], %broadcast_in_dim3A_19 {strides = array<i32>} : memref<128xf32, #tpu.memory_space<vmem>>, vector<16xf32>,
    %broadcast_in_dim3A_22 = arith.constant 0.000000e+00 : f32
    %broadcast_in_dim3A_23 = vector.broadcast %broadcast_in_dim3A_22 : f32 to vector<16xf32>
    %swap3A_24 = arith.constant 80 : index
    %swap3A_25 = tpu.vector_load %arg6[%swap3A_24] {strides = array<i32>} : memref<128xf32, #tpu.memory_space<vmem>>, vector<16xf32>,
    tpu.vector_store %arg6[%swap3A_24], %broadcast_in_dim3A_23 {strides = array<i32>} : memref<128xf32, #tpu.memory_space<vmem>>, vector<16xf32>,
    %broadcast_in_dim3A_26 = arith.constant 0.000000e+00 : f32
    %broadcast_in_dim3A_27 = vector.broadcast %broadcast_in_dim3A_26 : f32 to vector<16xf32>
    %swap3A_28 = arith.constant 96 : index
    %swap3A_29 = tpu.vector_load %arg6[%swap3A_28] {strides = array<i32>} : memref<128xf32, #tpu.memory_space<vmem>>, vector<16xf32>,
    tpu.vector_store %arg6[%swap3A_28], %broadcast_in_dim3A_27 {strides = array<i32>} : memref<128xf32, #tpu.memory_space<vmem>>, vector<16xf32>,
    %broadcast_in_dim3A_30 = arith.constant 0.000000e+00 : f32
    %broadcast_in_dim3A_31 = vector.broadcast %broadcast_in_dim3A_30 : f32 to vector<16xf32>
    %swap3A_32 = arith.constant 112 : index
    %swap3A_33 = tpu.vector_load %arg6[%swap3A_32] {strides = array<i32>} : memref<128xf32, #tpu.memory_space<vmem>>, vector<16xf32>,
    tpu.vector_store %arg6[%swap3A_32], %broadcast_in_dim3A_31 {strides = array<i32>} : memref<128xf32, #tpu.memory_space<vmem>>, vector<16xf32>,
    %dma_wait3A = tpu.memref_slice %arg2[%mul3A_2] : memref<16384xf32, #tpu.memory_space<hbm>> -> memref<1024xf32, #tpu.memory_space<hbm>>
    %dma_wait3A_34 = tpu.memref_slice %arg2[%mul3A_2] : memref<16384xf32, #tpu.memory_space<hbm>> -> memref<1024xf32, #tpu.memory_space<hbm>>
    tpu.wait_dma2 semaphore(%arg9 : memref<!tpu.dma_semaphore, #tpu.memory_space<semaphore_mem>>) src(%dma_wait3A_34 : memref<1024xf32, #tpu.memory_space<hbm>>) dst(%arg5 : memref<1024xf32, #tpu.memory_space<vmem>>)
    %get3A = arith.constant 0 : index
    %get3A_35 = tpu.vector_load %arg5[%get3A] {strides = array<i32>} : memref<1024xf32, #tpu.memory_space<vmem>>, vector<16xf32>,
    %convert_element_type3A = arith.fptosi %get3A_35 : vector<16xf32> to vector<16xi32>
    %swap3A_36 = arith.constant 0 : index
    %swap3A_37 = tpu.vector_load %arg4[%swap3A_36] {strides = array<i32>} : memref<1040xi32, #tpu.memory_space<vmem>>, vector<16xi32>,
    tpu.vector_store %arg4[%swap3A_36], %convert_element_type3A {strides = array<i32>} : memref<1040xi32, #tpu.memory_space<vmem>>, vector<16xi32>,
    %get3A_38 = arith.constant 16 : index
    %get3A_39 = tpu.vector_load %arg5[%get3A_38] {strides = array<i32>} : memref<1024xf32, #tpu.memory_space<vmem>>, vector<16xf32>,
    %convert_element_type3A_40 = arith.fptosi %get3A_39 : vector<16xf32> to vector<16xi32>
    %swap3A_41 = arith.constant 16 : index
    %swap3A_42 = tpu.vector_load %arg4[%swap3A_41] {strides = array<i32>} : memref<1040xi32, #tpu.memory_space<vmem>>, vector<16xi32>,
    tpu.vector_store %arg4[%swap3A_41], %convert_element_type3A_40 {strides = array<i32>} : memref<1040xi32, #tpu.memory_space<vmem>>, vector<16xi32>,
    %get3A_43 = arith.constant 32 : index
    %get3A_44 = tpu.vector_load %arg5[%get3A_43] {strides = array<i32>} : memref<1024xf32, #tpu.memory_space<vmem>>, vector<16xf32>,
    %convert_element_type3A_45 = arith.fptosi %get3A_44 : vector<16xf32> to vector<16xi32>
    %swap3A_46 = arith.constant 32 : index
    %swap3A_47 = tpu.vector_load %arg4[%swap3A_46] {strides = array<i32>} : memref<1040xi32, #tpu.memory_space<vmem>>, vector<16xi32>,
    tpu.vector_store %arg4[%swap3A_46], %convert_element_type3A_45 {strides = array<i32>} : memref<1040xi32, #tpu.memory_space<vmem>>, vector<16xi32>,
    %get3A_48 = arith.constant 48 : index
    %get3A_49 = tpu.vector_load %arg5[%get3A_48] {strides = array<i32>} : memref<1024xf32, #tpu.memory_space<vmem>>, vector<16xf32>,
    %convert_element_type3A_50 = arith.fptosi %get3A_49 : vector<16xf32> to vector<16xi32>
    %swap3A_51 = arith.constant 48 : index
    %swap3A_52 = tpu.vector_load %arg4[%swap3A_51] {strides = array<i32>} : memref<1040xi32, #tpu.memory_space<vmem>>, vector<16xi32>,
    tpu.vector_store %arg4[%swap3A_51], %convert_element_type3A_50 {strides = array<i32>} : memref<1040xi32, #tpu.memory_space<vmem>>, vector<16xi32>,
    %get3A_53 = arith.constant 64 : index
    %get3A_54 = tpu.vector_load %arg5[%get3A_53] {strides = array<i32>} : memref<1024xf32, #tpu.memory_space<vmem>>, vector<16xf32>,
    %convert_element_type3A_55 = arith.fptosi %get3A_54 : vector<16xf32> to vector<16xi32>
    %swap3A_56 = arith.constant 64 : index
    %swap3A_57 = tpu.vector_load %arg4[%swap3A_56] {strides = array<i32>} : memref<1040xi32, #tpu.memory_space<vmem>>, vector<16xi32>,
    tpu.vector_store %arg4[%swap3A_56], %convert_element_type3A_55 {strides = array<i32>} : memref<1040xi32, #tpu.memory_space<vmem>>, vector<16xi32>,
    %get3A_58 = arith.constant 80 : index
    %get3A_59 = tpu.vector_load %arg5[%get3A_58] {strides = array<i32>} : memref<1024xf32, #tpu.memory_space<vmem>>, vector<16xf32>,
    %convert_element_type3A_60 = arith.fptosi %get3A_59 : vector<16xf32> to vector<16xi32>
    %swap3A_61 = arith.constant 80 : index
    %swap3A_62 = tpu.vector_load %arg4[%swap3A_61] {strides = array<i32>} : memref<1040xi32, #tpu.memory_space<vmem>>, vector<16xi32>,
    tpu.vector_store %arg4[%swap3A_61], %convert_element_type3A_60 {strides = array<i32>} : memref<1040xi32, #tpu.memory_space<vmem>>, vector<16xi32>,
    %get3A_63 = arith.constant 96 : index
    %get3A_64 = tpu.vector_load %arg5[%get3A_63] {strides = array<i32>} : memref<1024xf32, #tpu.memory_space<vmem>>, vector<16xf32>,
    %convert_element_type3A_65 = arith.fptosi %get3A_64 : vector<16xf32> to vector<16xi32>
    %swap3A_66 = arith.constant 96 : index
    %swap3A_67 = tpu.vector_load %arg4[%swap3A_66] {strides = array<i32>} : memref<1040xi32, #tpu.memory_space<vmem>>, vector<16xi32>,
    tpu.vector_store %arg4[%swap3A_66], %convert_element_type3A_65 {strides = array<i32>} : memref<1040xi32, #tpu.memory_space<vmem>>, vector<16xi32>,
    %get3A_68 = arith.constant 112 : index
    %get3A_69 = tpu.vector_load %arg5[%get3A_68] {strides = array<i32>} : memref<1024xf32, #tpu.memory_space<vmem>>, vector<16xf32>,
    %convert_element_type3A_70 = arith.fptosi %get3A_69 : vector<16xf32> to vector<16xi32>
    %swap3A_71 = arith.constant 112 : index
    %swap3A_72 = tpu.vector_load %arg4[%swap3A_71] {strides = array<i32>} : memref<1040xi32, #tpu.memory_space<vmem>>, vector<16xi32>,
    tpu.vector_store %arg4[%swap3A_71], %convert_element_type3A_70 {strides = array<i32>} : memref<1040xi32, #tpu.memory_space<vmem>>, vector<16xi32>,
    %get3A_73 = arith.constant 128 : index
    %get3A_74 = tpu.vector_load %arg5[%get3A_73] {strides = array<i32>} : memref<1024xf32, #tpu.memory_space<vmem>>, vector<16xf32>,
    %convert_element_type3A_75 = arith.fptosi %get3A_74 : vector<16xf32> to vector<16xi32>
    %swap3A_76 = arith.constant 128 : index
    %swap3A_77 = tpu.vector_load %arg4[%swap3A_76] {strides = array<i32>} : memref<1040xi32, #tpu.memory_space<vmem>>, vector<16xi32>,
    tpu.vector_store %arg4[%swap3A_76], %convert_element_type3A_75 {strides = array<i32>} : memref<1040xi32, #tpu.memory_space<vmem>>, vector<16xi32>,
    %get3A_78 = arith.constant 144 : index
    %get3A_79 = tpu.vector_load %arg5[%get3A_78] {strides = array<i32>} : memref<1024xf32, #tpu.memory_space<vmem>>, vector<16xf32>,
    %convert_element_type3A_80 = arith.fptosi %get3A_79 : vector<16xf32> to vector<16xi32>
    %swap3A_81 = arith.constant 144 : index
    %swap3A_82 = tpu.vector_load %arg4[%swap3A_81] {strides = array<i32>} : memref<1040xi32, #tpu.memory_space<vmem>>, vector<16xi32>,
    tpu.vector_store %arg4[%swap3A_81], %convert_element_type3A_80 {strides = array<i32>} : memref<1040xi32, #tpu.memory_space<vmem>>, vector<16xi32>,
    %get3A_83 = arith.constant 160 : index
    %get3A_84 = tpu.vector_load %arg5[%get3A_83] {strides = array<i32>} : memref<1024xf32, #tpu.memory_space<vmem>>, vector<16xf32>,
    %convert_element_type3A_85 = arith.fptosi %get3A_84 : vector<16xf32> to vector<16xi32>
    %swap3A_86 = arith.constant 160 : index
    %swap3A_87 = tpu.vector_load %arg4[%swap3A_86] {strides = array<i32>} : memref<1040xi32, #tpu.memory_space<vmem>>, vector<16xi32>,
    tpu.vector_store %arg4[%swap3A_86], %convert_element_type3A_85 {strides = array<i32>} : memref<1040xi32, #tpu.memory_space<vmem>>, vector<16xi32>,
    %get3A_88 = arith.constant 176 : index
    %get3A_89 = tpu.vector_load %arg5[%get3A_88] {strides = array<i32>} : memref<1024xf32, #tpu.memory_space<vmem>>, vector<16xf32>,
    %convert_element_type3A_90 = arith.fptosi %get3A_89 : vector<16xf32> to vector<16xi32>
    %swap3A_91 = arith.constant 176 : index
    %swap3A_92 = tpu.vector_load %arg4[%swap3A_91] {strides = array<i32>} : memref<1040xi32, #tpu.memory_space<vmem>>, vector<16xi32>,
    tpu.vector_store %arg4[%swap3A_91], %convert_element_type3A_90 {strides = array<i32>} : memref<1040xi32, #tpu.memory_space<vmem>>, vector<16xi32>,
    %get3A_93 = arith.constant 192 : index
    %get3A_94 = tpu.vector_load %arg5[%get3A_93] {strides = array<i32>} : memref<1024xf32, #tpu.memory_space<vmem>>, vector<16xf32>,
    %convert_element_type3A_95 = arith.fptosi %get3A_94 : vector<16xf32> to vector<16xi32>
    %swap3A_96 = arith.constant 192 : index
    %swap3A_97 = tpu.vector_load %arg4[%swap3A_96] {strides = array<i32>} : memref<1040xi32, #tpu.memory_space<vmem>>, vector<16xi32>,
    tpu.vector_store %arg4[%swap3A_96], %convert_element_type3A_95 {strides = array<i32>} : memref<1040xi32, #tpu.memory_space<vmem>>, vector<16xi32>,
    %get3A_98 = arith.constant 208 : index
    %get3A_99 = tpu.vector_load %arg5[%get3A_98] {strides = array<i32>} : memref<1024xf32, #tpu.memory_space<vmem>>, vector<16xf32>,
    %convert_element_type3A_100 = arith.fptosi %get3A_99 : vector<16xf32> to vector<16xi32>
    %swap3A_101 = arith.constant 208 : index
    %swap3A_102 = tpu.vector_load %arg4[%swap3A_101] {strides = array<i32>} : memref<1040xi32, #tpu.memory_space<vmem>>, vector<16xi32>,
    tpu.vector_store %arg4[%swap3A_101], %convert_element_type3A_100 {strides = array<i32>} : memref<1040xi32, #tpu.memory_space<vmem>>, vector<16xi32>,
    %get3A_103 = arith.constant 224 : index
    %get3A_104 = tpu.vector_load %arg5[%get3A_103] {strides = array<i32>} : memref<1024xf32, #tpu.memory_space<vmem>>, vector<16xf32>,
    %convert_element_type3A_105 = arith.fptosi %get3A_104 : vector<16xf32> to vector<16xi32>
    %swap3A_106 = arith.constant 224 : index
    %swap3A_107 = tpu.vector_load %arg4[%swap3A_106] {strides = array<i32>} : memref<1040xi32, #tpu.memory_space<vmem>>, vector<16xi32>,
    tpu.vector_store %arg4[%swap3A_106], %convert_element_type3A_105 {strides = array<i32>} : memref<1040xi32, #tpu.memory_space<vmem>>, vector<16xi32>,
    %get3A_108 = arith.constant 240 : index
    %get3A_109 = tpu.vector_load %arg5[%get3A_108] {strides = array<i32>} : memref<1024xf32, #tpu.memory_space<vmem>>, vector<16xf32>,
    %convert_element_type3A_110 = arith.fptosi %get3A_109 : vector<16xf32> to vector<16xi32>
    %swap3A_111 = arith.constant 240 : index
    %swap3A_112 = tpu.vector_load %arg4[%swap3A_111] {strides = array<i32>} : memref<1040xi32, #tpu.memory_space<vmem>>, vector<16xi32>,
    tpu.vector_store %arg4[%swap3A_111], %convert_element_type3A_110 {strides = array<i32>} : memref<1040xi32, #tpu.memory_space<vmem>>, vector<16xi32>,
    %get3A_113 = arith.constant 256 : index
    %get3A_114 = tpu.vector_load %arg5[%get3A_113] {strides = array<i32>} : memref<1024xf32, #tpu.memory_space<vmem>>, vector<16xf32>,
    %convert_element_type3A_115 = arith.fptosi %get3A_114 : vector<16xf32> to vector<16xi32>
    %swap3A_116 = arith.constant 256 : index
    %swap3A_117 = tpu.vector_load %arg4[%swap3A_116] {strides = array<i32>} : memref<1040xi32, #tpu.memory_space<vmem>>, vector<16xi32>,
    tpu.vector_store %arg4[%swap3A_116], %convert_element_type3A_115 {strides = array<i32>} : memref<1040xi32, #tpu.memory_space<vmem>>, vector<16xi32>,
    %get3A_118 = arith.constant 272 : index
    %get3A_119 = tpu.vector_load %arg5[%get3A_118] {strides = array<i32>} : memref<1024xf32, #tpu.memory_space<vmem>>, vector<16xf32>,
    %convert_element_type3A_120 = arith.fptosi %get3A_119 : vector<16xf32> to vector<16xi32>
    %swap3A_121 = arith.constant 272 : index
    %swap3A_122 = tpu.vector_load %arg4[%swap3A_121] {strides = array<i32>} : memref<1040xi32, #tpu.memory_space<vmem>>, vector<16xi32>,
    tpu.vector_store %arg4[%swap3A_121], %convert_element_type3A_120 {strides = array<i32>} : memref<1040xi32, #tpu.memory_space<vmem>>, vector<16xi32>,
    %get3A_123 = arith.constant 288 : index
    %get3A_124 = tpu.vector_load %arg5[%get3A_123] {strides = array<i32>} : memref<1024xf32, #tpu.memory_space<vmem>>, vector<16xf32>,
    %convert_element_type3A_125 = arith.fptosi %get3A_124 : vector<16xf32> to vector<16xi32>
    %swap3A_126 = arith.constant 288 : index
    %swap3A_127 = tpu.vector_load %arg4[%swap3A_126] {strides = array<i32>} : memref<1040xi32, #tpu.memory_space<vmem>>, vector<16xi32>,
    tpu.vector_store %arg4[%swap3A_126], %convert_element_type3A_125 {strides = array<i32>} : memref<1040xi32, #tpu.memory_space<vmem>>, vector<16xi32>,
    %get3A_128 = arith.constant 304 : index
    %get3A_129 = tpu.vector_load %arg5[%get3A_128] {strides = array<i32>} : memref<1024xf32, #tpu.memory_space<vmem>>, vector<16xf32>,
    %convert_element_type3A_130 = arith.fptosi %get3A_129 : vector<16xf32> to vector<16xi32>
    %swap3A_131 = arith.constant 304 : index
    %swap3A_132 = tpu.vector_load %arg4[%swap3A_131] {strides = array<i32>} : memref<1040xi32, #tpu.memory_space<vmem>>, vector<16xi32>,
    tpu.vector_store %arg4[%swap3A_131], %convert_element_type3A_130 {strides = array<i32>} : memref<1040xi32, #tpu.memory_space<vmem>>, vector<16xi32>,
    %get3A_133 = arith.constant 320 : index
    %get3A_134 = tpu.vector_load %arg5[%get3A_133] {strides = array<i32>} : memref<1024xf32, #tpu.memory_space<vmem>>, vector<16xf32>,
    %convert_element_type3A_135 = arith.fptosi %get3A_134 : vector<16xf32> to vector<16xi32>
    %swap3A_136 = arith.constant 320 : index
    %swap3A_137 = tpu.vector_load %arg4[%swap3A_136] {strides = array<i32>} : memref<1040xi32, #tpu.memory_space<vmem>>, vector<16xi32>,
    tpu.vector_store %arg4[%swap3A_136], %convert_element_type3A_135 {strides = array<i32>} : memref<1040xi32, #tpu.memory_space<vmem>>, vector<16xi32>,
    %get3A_138 = arith.constant 336 : index
    %get3A_139 = tpu.vector_load %arg5[%get3A_138] {strides = array<i32>} : memref<1024xf32, #tpu.memory_space<vmem>>, vector<16xf32>,
    %convert_element_type3A_140 = arith.fptosi %get3A_139 : vector<16xf32> to vector<16xi32>
    %swap3A_141 = arith.constant 336 : index
    %swap3A_142 = tpu.vector_load %arg4[%swap3A_141] {strides = array<i32>} : memref<1040xi32, #tpu.memory_space<vmem>>, vector<16xi32>,
    tpu.vector_store %arg4[%swap3A_141], %convert_element_type3A_140 {strides = array<i32>} : memref<1040xi32, #tpu.memory_space<vmem>>, vector<16xi32>,
    %get3A_143 = arith.constant 352 : index
    %get3A_144 = tpu.vector_load %arg5[%get3A_143] {strides = array<i32>} : memref<1024xf32, #tpu.memory_space<vmem>>, vector<16xf32>,
    %convert_element_type3A_145 = arith.fptosi %get3A_144 : vector<16xf32> to vector<16xi32>
    %swap3A_146 = arith.constant 352 : index
    %swap3A_147 = tpu.vector_load %arg4[%swap3A_146] {strides = array<i32>} : memref<1040xi32, #tpu.memory_space<vmem>>, vector<16xi32>,
    tpu.vector_store %arg4[%swap3A_146], %convert_element_type3A_145 {strides = array<i32>} : memref<1040xi32, #tpu.memory_space<vmem>>, vector<16xi32>,
    %get3A_148 = arith.constant 368 : index
    %get3A_149 = tpu.vector_load %arg5[%get3A_148] {strides = array<i32>} : memref<1024xf32, #tpu.memory_space<vmem>>, vector<16xf32>,
    %convert_element_type3A_150 = arith.fptosi %get3A_149 : vector<16xf32> to vector<16xi32>
    %swap3A_151 = arith.constant 368 : index
    %swap3A_152 = tpu.vector_load %arg4[%swap3A_151] {strides = array<i32>} : memref<1040xi32, #tpu.memory_space<vmem>>, vector<16xi32>,
    tpu.vector_store %arg4[%swap3A_151], %convert_element_type3A_150 {strides = array<i32>} : memref<1040xi32, #tpu.memory_space<vmem>>, vector<16xi32>,
    %get3A_153 = arith.constant 384 : index
    %get3A_154 = tpu.vector_load %arg5[%get3A_153] {strides = array<i32>} : memref<1024xf32, #tpu.memory_space<vmem>>, vector<16xf32>,
    %convert_element_type3A_155 = arith.fptosi %get3A_154 : vector<16xf32> to vector<16xi32>
    %swap3A_156 = arith.constant 384 : index
    %swap3A_157 = tpu.vector_load %arg4[%swap3A_156] {strides = array<i32>} : memref<1040xi32, #tpu.memory_space<vmem>>, vector<16xi32>,
    tpu.vector_store %arg4[%swap3A_156], %convert_element_type3A_155 {strides = array<i32>} : memref<1040xi32, #tpu.memory_space<vmem>>, vector<16xi32>,
    %get3A_158 = arith.constant 400 : index
    %get3A_159 = tpu.vector_load %arg5[%get3A_158] {strides = array<i32>} : memref<1024xf32, #tpu.memory_space<vmem>>, vector<16xf32>,
    %convert_element_type3A_160 = arith.fptosi %get3A_159 : vector<16xf32> to vector<16xi32>
    %swap3A_161 = arith.constant 400 : index
    %swap3A_162 = tpu.vector_load %arg4[%swap3A_161] {strides = array<i32>} : memref<1040xi32, #tpu.memory_space<vmem>>, vector<16xi32>,
    tpu.vector_store %arg4[%swap3A_161], %convert_element_type3A_160 {strides = array<i32>} : memref<1040xi32, #tpu.memory_space<vmem>>, vector<16xi32>,
    %get3A_163 = arith.constant 416 : index
    %get3A_164 = tpu.vector_load %arg5[%get3A_163] {strides = array<i32>} : memref<1024xf32, #tpu.memory_space<vmem>>, vector<16xf32>,
    %convert_element_type3A_165 = arith.fptosi %get3A_164 : vector<16xf32> to vector<16xi32>
    %swap3A_166 = arith.constant 416 : index
    %swap3A_167 = tpu.vector_load %arg4[%swap3A_166] {strides = array<i32>} : memref<1040xi32, #tpu.memory_space<vmem>>, vector<16xi32>,
    tpu.vector_store %arg4[%swap3A_166], %convert_element_type3A_165 {strides = array<i32>} : memref<1040xi32, #tpu.memory_space<vmem>>, vector<16xi32>,
    %get3A_168 = arith.constant 432 : index
    %get3A_169 = tpu.vector_load %arg5[%get3A_168] {strides = array<i32>} : memref<1024xf32, #tpu.memory_space<vmem>>, vector<16xf32>,
    %convert_element_type3A_170 = arith.fptosi %get3A_169 : vector<16xf32> to vector<16xi32>
    %swap3A_171 = arith.constant 432 : index
    %swap3A_172 = tpu.vector_load %arg4[%swap3A_171] {strides = array<i32>} : memref<1040xi32, #tpu.memory_space<vmem>>, vector<16xi32>,
    tpu.vector_store %arg4[%swap3A_171], %convert_element_type3A_170 {strides = array<i32>} : memref<1040xi32, #tpu.memory_space<vmem>>, vector<16xi32>,
    %get3A_173 = arith.constant 448 : index
    %get3A_174 = tpu.vector_load %arg5[%get3A_173] {strides = array<i32>} : memref<1024xf32, #tpu.memory_space<vmem>>, vector<16xf32>,
    %convert_element_type3A_175 = arith.fptosi %get3A_174 : vector<16xf32> to vector<16xi32>
    %swap3A_176 = arith.constant 448 : index
    %swap3A_177 = tpu.vector_load %arg4[%swap3A_176] {strides = array<i32>} : memref<1040xi32, #tpu.memory_space<vmem>>, vector<16xi32>,
    tpu.vector_store %arg4[%swap3A_176], %convert_element_type3A_175 {strides = array<i32>} : memref<1040xi32, #tpu.memory_space<vmem>>, vector<16xi32>,
    %get3A_178 = arith.constant 464 : index
    %get3A_179 = tpu.vector_load %arg5[%get3A_178] {strides = array<i32>} : memref<1024xf32, #tpu.memory_space<vmem>>, vector<16xf32>,
    %convert_element_type3A_180 = arith.fptosi %get3A_179 : vector<16xf32> to vector<16xi32>
    %swap3A_181 = arith.constant 464 : index
    %swap3A_182 = tpu.vector_load %arg4[%swap3A_181] {strides = array<i32>} : memref<1040xi32, #tpu.memory_space<vmem>>, vector<16xi32>,
    tpu.vector_store %arg4[%swap3A_181], %convert_element_type3A_180 {strides = array<i32>} : memref<1040xi32, #tpu.memory_space<vmem>>, vector<16xi32>,
    %get3A_183 = arith.constant 480 : index
    %get3A_184 = tpu.vector_load %arg5[%get3A_183] {strides = array<i32>} : memref<1024xf32, #tpu.memory_space<vmem>>, vector<16xf32>,
    %convert_element_type3A_185 = arith.fptosi %get3A_184 : vector<16xf32> to vector<16xi32>
    %swap3A_186 = arith.constant 480 : index
    %swap3A_187 = tpu.vector_load %arg4[%swap3A_186] {strides = array<i32>} : memref<1040xi32, #tpu.memory_space<vmem>>, vector<16xi32>,
    tpu.vector_store %arg4[%swap3A_186], %convert_element_type3A_185 {strides = array<i32>} : memref<1040xi32, #tpu.memory_space<vmem>>, vector<16xi32>,
    %get3A_188 = arith.constant 496 : index
    %get3A_189 = tpu.vector_load %arg5[%get3A_188] {strides = array<i32>} : memref<1024xf32, #tpu.memory_space<vmem>>, vector<16xf32>,
    %convert_element_type3A_190 = arith.fptosi %get3A_189 : vector<16xf32> to vector<16xi32>
    %swap3A_191 = arith.constant 496 : index
    %swap3A_192 = tpu.vector_load %arg4[%swap3A_191] {strides = array<i32>} : memref<1040xi32, #tpu.memory_space<vmem>>, vector<16xi32>,
    tpu.vector_store %arg4[%swap3A_191], %convert_element_type3A_190 {strides = array<i32>} : memref<1040xi32, #tpu.memory_space<vmem>>, vector<16xi32>,
    %get3A_193 = arith.constant 512 : index
    %get3A_194 = tpu.vector_load %arg5[%get3A_193] {strides = array<i32>} : memref<1024xf32, #tpu.memory_space<vmem>>, vector<16xf32>,
    %convert_element_type3A_195 = arith.fptosi %get3A_194 : vector<16xf32> to vector<16xi32>
    %swap3A_196 = arith.constant 512 : index
    %swap3A_197 = tpu.vector_load %arg4[%swap3A_196] {strides = array<i32>} : memref<1040xi32, #tpu.memory_space<vmem>>, vector<16xi32>,
    tpu.vector_store %arg4[%swap3A_196], %convert_element_type3A_195 {strides = array<i32>} : memref<1040xi32, #tpu.memory_space<vmem>>, vector<16xi32>,
    %get3A_198 = arith.constant 528 : index
    %get3A_199 = tpu.vector_load %arg5[%get3A_198] {strides = array<i32>} : memref<1024xf32, #tpu.memory_space<vmem>>, vector<16xf32>,
    %convert_element_type3A_200 = arith.fptosi %get3A_199 : vector<16xf32> to vector<16xi32>
    %swap3A_201 = arith.constant 528 : index
    %swap3A_202 = tpu.vector_load %arg4[%swap3A_201] {strides = array<i32>} : memref<1040xi32, #tpu.memory_space<vmem>>, vector<16xi32>,
    tpu.vector_store %arg4[%swap3A_201], %convert_element_type3A_200 {strides = array<i32>} : memref<1040xi32, #tpu.memory_space<vmem>>, vector<16xi32>,
    %get3A_203 = arith.constant 544 : index
    %get3A_204 = tpu.vector_load %arg5[%get3A_203] {strides = array<i32>} : memref<1024xf32, #tpu.memory_space<vmem>>, vector<16xf32>,
    %convert_element_type3A_205 = arith.fptosi %get3A_204 : vector<16xf32> to vector<16xi32>
    %swap3A_206 = arith.constant 544 : index
    %swap3A_207 = tpu.vector_load %arg4[%swap3A_206] {strides = array<i32>} : memref<1040xi32, #tpu.memory_space<vmem>>, vector<16xi32>,
    tpu.vector_store %arg4[%swap3A_206], %convert_element_type3A_205 {strides = array<i32>} : memref<1040xi32, #tpu.memory_space<vmem>>, vector<16xi32>,
    %get3A_208 = arith.constant 560 : index
    %get3A_209 = tpu.vector_load %arg5[%get3A_208] {strides = array<i32>} : memref<1024xf32, #tpu.memory_space<vmem>>, vector<16xf32>,
    %convert_element_type3A_210 = arith.fptosi %get3A_209 : vector<16xf32> to vector<16xi32>
    %swap3A_211 = arith.constant 560 : index
    %swap3A_212 = tpu.vector_load %arg4[%swap3A_211] {strides = array<i32>} : memref<1040xi32, #tpu.memory_space<vmem>>, vector<16xi32>,
    tpu.vector_store %arg4[%swap3A_211], %convert_element_type3A_210 {strides = array<i32>} : memref<1040xi32, #tpu.memory_space<vmem>>, vector<16xi32>,
    %get3A_213 = arith.constant 576 : index
    %get3A_214 = tpu.vector_load %arg5[%get3A_213] {strides = array<i32>} : memref<1024xf32, #tpu.memory_space<vmem>>, vector<16xf32>,
    %convert_element_type3A_215 = arith.fptosi %get3A_214 : vector<16xf32> to vector<16xi32>
    %swap3A_216 = arith.constant 576 : index
    %swap3A_217 = tpu.vector_load %arg4[%swap3A_216] {strides = array<i32>} : memref<1040xi32, #tpu.memory_space<vmem>>, vector<16xi32>,
    tpu.vector_store %arg4[%swap3A_216], %convert_element_type3A_215 {strides = array<i32>} : memref<1040xi32, #tpu.memory_space<vmem>>, vector<16xi32>,
    %get3A_218 = arith.constant 592 : index
    %get3A_219 = tpu.vector_load %arg5[%get3A_218] {strides = array<i32>} : memref<1024xf32, #tpu.memory_space<vmem>>, vector<16xf32>,
    %convert_element_type3A_220 = arith.fptosi %get3A_219 : vector<16xf32> to vector<16xi32>
    %swap3A_221 = arith.constant 592 : index
    %swap3A_222 = tpu.vector_load %arg4[%swap3A_221] {strides = array<i32>} : memref<1040xi32, #tpu.memory_space<vmem>>, vector<16xi32>,
    tpu.vector_store %arg4[%swap3A_221], %convert_element_type3A_220 {strides = array<i32>} : memref<1040xi32, #tpu.memory_space<vmem>>, vector<16xi32>,
    %get3A_223 = arith.constant 608 : index
    %get3A_224 = tpu.vector_load %arg5[%get3A_223] {strides = array<i32>} : memref<1024xf32, #tpu.memory_space<vmem>>, vector<16xf32>,
    %convert_element_type3A_225 = arith.fptosi %get3A_224 : vector<16xf32> to vector<16xi32>
    %swap3A_226 = arith.constant 608 : index
    %swap3A_227 = tpu.vector_load %arg4[%swap3A_226] {strides = array<i32>} : memref<1040xi32, #tpu.memory_space<vmem>>, vector<16xi32>,
    tpu.vector_store %arg4[%swap3A_226], %convert_element_type3A_225 {strides = array<i32>} : memref<1040xi32, #tpu.memory_space<vmem>>, vector<16xi32>,
    %get3A_228 = arith.constant 624 : index
    %get3A_229 = tpu.vector_load %arg5[%get3A_228] {strides = array<i32>} : memref<1024xf32, #tpu.memory_space<vmem>>, vector<16xf32>,
    %convert_element_type3A_230 = arith.fptosi %get3A_229 : vector<16xf32> to vector<16xi32>
    %swap3A_231 = arith.constant 624 : index
    %swap3A_232 = tpu.vector_load %arg4[%swap3A_231] {strides = array<i32>} : memref<1040xi32, #tpu.memory_space<vmem>>, vector<16xi32>,
    tpu.vector_store %arg4[%swap3A_231], %convert_element_type3A_230 {strides = array<i32>} : memref<1040xi32, #tpu.memory_space<vmem>>, vector<16xi32>,
    %get3A_233 = arith.constant 640 : index
    %get3A_234 = tpu.vector_load %arg5[%get3A_233] {strides = array<i32>} : memref<1024xf32, #tpu.memory_space<vmem>>, vector<16xf32>,
    %convert_element_type3A_235 = arith.fptosi %get3A_234 : vector<16xf32> to vector<16xi32>
    %swap3A_236 = arith.constant 640 : index
    %swap3A_237 = tpu.vector_load %arg4[%swap3A_236] {strides = array<i32>} : memref<1040xi32, #tpu.memory_space<vmem>>, vector<16xi32>,
    tpu.vector_store %arg4[%swap3A_236], %convert_element_type3A_235 {strides = array<i32>} : memref<1040xi32, #tpu.memory_space<vmem>>, vector<16xi32>,
    %get3A_238 = arith.constant 656 : index
    %get3A_239 = tpu.vector_load %arg5[%get3A_238] {strides = array<i32>} : memref<1024xf32, #tpu.memory_space<vmem>>, vector<16xf32>,
    %convert_element_type3A_240 = arith.fptosi %get3A_239 : vector<16xf32> to vector<16xi32>
    %swap3A_241 = arith.constant 656 : index
    %swap3A_242 = tpu.vector_load %arg4[%swap3A_241] {strides = array<i32>} : memref<1040xi32, #tpu.memory_space<vmem>>, vector<16xi32>,
    tpu.vector_store %arg4[%swap3A_241], %convert_element_type3A_240 {strides = array<i32>} : memref<1040xi32, #tpu.memory_space<vmem>>, vector<16xi32>,
    %get3A_243 = arith.constant 672 : index
    %get3A_244 = tpu.vector_load %arg5[%get3A_243] {strides = array<i32>} : memref<1024xf32, #tpu.memory_space<vmem>>, vector<16xf32>,
    %convert_element_type3A_245 = arith.fptosi %get3A_244 : vector<16xf32> to vector<16xi32>
    %swap3A_246 = arith.constant 672 : index
    %swap3A_247 = tpu.vector_load %arg4[%swap3A_246] {strides = array<i32>} : memref<1040xi32, #tpu.memory_space<vmem>>, vector<16xi32>,
    tpu.vector_store %arg4[%swap3A_246], %convert_element_type3A_245 {strides = array<i32>} : memref<1040xi32, #tpu.memory_space<vmem>>, vector<16xi32>,
    %get3A_248 = arith.constant 688 : index
    %get3A_249 = tpu.vector_load %arg5[%get3A_248] {strides = array<i32>} : memref<1024xf32, #tpu.memory_space<vmem>>, vector<16xf32>,
    %convert_element_type3A_250 = arith.fptosi %get3A_249 : vector<16xf32> to vector<16xi32>
    %swap3A_251 = arith.constant 688 : index
    %swap3A_252 = tpu.vector_load %arg4[%swap3A_251] {strides = array<i32>} : memref<1040xi32, #tpu.memory_space<vmem>>, vector<16xi32>,
    tpu.vector_store %arg4[%swap3A_251], %convert_element_type3A_250 {strides = array<i32>} : memref<1040xi32, #tpu.memory_space<vmem>>, vector<16xi32>,
    %get3A_253 = arith.constant 704 : index
    %get3A_254 = tpu.vector_load %arg5[%get3A_253] {strides = array<i32>} : memref<1024xf32, #tpu.memory_space<vmem>>, vector<16xf32>,
    %convert_element_type3A_255 = arith.fptosi %get3A_254 : vector<16xf32> to vector<16xi32>
    %swap3A_256 = arith.constant 704 : index
    %swap3A_257 = tpu.vector_load %arg4[%swap3A_256] {strides = array<i32>} : memref<1040xi32, #tpu.memory_space<vmem>>, vector<16xi32>,
    tpu.vector_store %arg4[%swap3A_256], %convert_element_type3A_255 {strides = array<i32>} : memref<1040xi32, #tpu.memory_space<vmem>>, vector<16xi32>,
    %get3A_258 = arith.constant 720 : index
    %get3A_259 = tpu.vector_load %arg5[%get3A_258] {strides = array<i32>} : memref<1024xf32, #tpu.memory_space<vmem>>, vector<16xf32>,
    %convert_element_type3A_260 = arith.fptosi %get3A_259 : vector<16xf32> to vector<16xi32>
    %swap3A_261 = arith.constant 720 : index
    %swap3A_262 = tpu.vector_load %arg4[%swap3A_261] {strides = array<i32>} : memref<1040xi32, #tpu.memory_space<vmem>>, vector<16xi32>,
    tpu.vector_store %arg4[%swap3A_261], %convert_element_type3A_260 {strides = array<i32>} : memref<1040xi32, #tpu.memory_space<vmem>>, vector<16xi32>,
    %get3A_263 = arith.constant 736 : index
    %get3A_264 = tpu.vector_load %arg5[%get3A_263] {strides = array<i32>} : memref<1024xf32, #tpu.memory_space<vmem>>, vector<16xf32>,
    %convert_element_type3A_265 = arith.fptosi %get3A_264 : vector<16xf32> to vector<16xi32>
    %swap3A_266 = arith.constant 736 : index
    %swap3A_267 = tpu.vector_load %arg4[%swap3A_266] {strides = array<i32>} : memref<1040xi32, #tpu.memory_space<vmem>>, vector<16xi32>,
    tpu.vector_store %arg4[%swap3A_266], %convert_element_type3A_265 {strides = array<i32>} : memref<1040xi32, #tpu.memory_space<vmem>>, vector<16xi32>,
    %get3A_268 = arith.constant 752 : index
    %get3A_269 = tpu.vector_load %arg5[%get3A_268] {strides = array<i32>} : memref<1024xf32, #tpu.memory_space<vmem>>, vector<16xf32>,
    %convert_element_type3A_270 = arith.fptosi %get3A_269 : vector<16xf32> to vector<16xi32>
    %swap3A_271 = arith.constant 752 : index
    %swap3A_272 = tpu.vector_load %arg4[%swap3A_271] {strides = array<i32>} : memref<1040xi32, #tpu.memory_space<vmem>>, vector<16xi32>,
    tpu.vector_store %arg4[%swap3A_271], %convert_element_type3A_270 {strides = array<i32>} : memref<1040xi32, #tpu.memory_space<vmem>>, vector<16xi32>,
    %get3A_273 = arith.constant 768 : index
    %get3A_274 = tpu.vector_load %arg5[%get3A_273] {strides = array<i32>} : memref<1024xf32, #tpu.memory_space<vmem>>, vector<16xf32>,
    %convert_element_type3A_275 = arith.fptosi %get3A_274 : vector<16xf32> to vector<16xi32>
    %swap3A_276 = arith.constant 768 : index
    %swap3A_277 = tpu.vector_load %arg4[%swap3A_276] {strides = array<i32>} : memref<1040xi32, #tpu.memory_space<vmem>>, vector<16xi32>,
    tpu.vector_store %arg4[%swap3A_276], %convert_element_type3A_275 {strides = array<i32>} : memref<1040xi32, #tpu.memory_space<vmem>>, vector<16xi32>,
    %get3A_278 = arith.constant 784 : index
    %get3A_279 = tpu.vector_load %arg5[%get3A_278] {strides = array<i32>} : memref<1024xf32, #tpu.memory_space<vmem>>, vector<16xf32>,
    %convert_element_type3A_280 = arith.fptosi %get3A_279 : vector<16xf32> to vector<16xi32>
    %swap3A_281 = arith.constant 784 : index
    %swap3A_282 = tpu.vector_load %arg4[%swap3A_281] {strides = array<i32>} : memref<1040xi32, #tpu.memory_space<vmem>>, vector<16xi32>,
    tpu.vector_store %arg4[%swap3A_281], %convert_element_type3A_280 {strides = array<i32>} : memref<1040xi32, #tpu.memory_space<vmem>>, vector<16xi32>,
    %get3A_283 = arith.constant 800 : index
    %get3A_284 = tpu.vector_load %arg5[%get3A_283] {strides = array<i32>} : memref<1024xf32, #tpu.memory_space<vmem>>, vector<16xf32>,
    %convert_element_type3A_285 = arith.fptosi %get3A_284 : vector<16xf32> to vector<16xi32>
    %swap3A_286 = arith.constant 800 : index
    %swap3A_287 = tpu.vector_load %arg4[%swap3A_286] {strides = array<i32>} : memref<1040xi32, #tpu.memory_space<vmem>>, vector<16xi32>,
    tpu.vector_store %arg4[%swap3A_286], %convert_element_type3A_285 {strides = array<i32>} : memref<1040xi32, #tpu.memory_space<vmem>>, vector<16xi32>,
    %get3A_288 = arith.constant 816 : index
    %get3A_289 = tpu.vector_load %arg5[%get3A_288] {strides = array<i32>} : memref<1024xf32, #tpu.memory_space<vmem>>, vector<16xf32>,
    %convert_element_type3A_290 = arith.fptosi %get3A_289 : vector<16xf32> to vector<16xi32>
    %swap3A_291 = arith.constant 816 : index
    %swap3A_292 = tpu.vector_load %arg4[%swap3A_291] {strides = array<i32>} : memref<1040xi32, #tpu.memory_space<vmem>>, vector<16xi32>,
    tpu.vector_store %arg4[%swap3A_291], %convert_element_type3A_290 {strides = array<i32>} : memref<1040xi32, #tpu.memory_space<vmem>>, vector<16xi32>,
    %get3A_293 = arith.constant 832 : index
    %get3A_294 = tpu.vector_load %arg5[%get3A_293] {strides = array<i32>} : memref<1024xf32, #tpu.memory_space<vmem>>, vector<16xf32>,
    %convert_element_type3A_295 = arith.fptosi %get3A_294 : vector<16xf32> to vector<16xi32>
    %swap3A_296 = arith.constant 832 : index
    %swap3A_297 = tpu.vector_load %arg4[%swap3A_296] {strides = array<i32>} : memref<1040xi32, #tpu.memory_space<vmem>>, vector<16xi32>,
    tpu.vector_store %arg4[%swap3A_296], %convert_element_type3A_295 {strides = array<i32>} : memref<1040xi32, #tpu.memory_space<vmem>>, vector<16xi32>,
    %get3A_298 = arith.constant 848 : index
    %get3A_299 = tpu.vector_load %arg5[%get3A_298] {strides = array<i32>} : memref<1024xf32, #tpu.memory_space<vmem>>, vector<16xf32>,
    %convert_element_type3A_300 = arith.fptosi %get3A_299 : vector<16xf32> to vector<16xi32>
    %swap3A_301 = arith.constant 848 : index
    %swap3A_302 = tpu.vector_load %arg4[%swap3A_301] {strides = array<i32>} : memref<1040xi32, #tpu.memory_space<vmem>>, vector<16xi32>,
    tpu.vector_store %arg4[%swap3A_301], %convert_element_type3A_300 {strides = array<i32>} : memref<1040xi32, #tpu.memory_space<vmem>>, vector<16xi32>,
    %get3A_303 = arith.constant 864 : index
    %get3A_304 = tpu.vector_load %arg5[%get3A_303] {strides = array<i32>} : memref<1024xf32, #tpu.memory_space<vmem>>, vector<16xf32>,
    %convert_element_type3A_305 = arith.fptosi %get3A_304 : vector<16xf32> to vector<16xi32>
    %swap3A_306 = arith.constant 864 : index
    %swap3A_307 = tpu.vector_load %arg4[%swap3A_306] {strides = array<i32>} : memref<1040xi32, #tpu.memory_space<vmem>>, vector<16xi32>,
    tpu.vector_store %arg4[%swap3A_306], %convert_element_type3A_305 {strides = array<i32>} : memref<1040xi32, #tpu.memory_space<vmem>>, vector<16xi32>,
    %get3A_308 = arith.constant 880 : index
    %get3A_309 = tpu.vector_load %arg5[%get3A_308] {strides = array<i32>} : memref<1024xf32, #tpu.memory_space<vmem>>, vector<16xf32>,
    %convert_element_type3A_310 = arith.fptosi %get3A_309 : vector<16xf32> to vector<16xi32>
    %swap3A_311 = arith.constant 880 : index
    %swap3A_312 = tpu.vector_load %arg4[%swap3A_311] {strides = array<i32>} : memref<1040xi32, #tpu.memory_space<vmem>>, vector<16xi32>,
    tpu.vector_store %arg4[%swap3A_311], %convert_element_type3A_310 {strides = array<i32>} : memref<1040xi32, #tpu.memory_space<vmem>>, vector<16xi32>,
    %get3A_313 = arith.constant 896 : index
    %get3A_314 = tpu.vector_load %arg5[%get3A_313] {strides = array<i32>} : memref<1024xf32, #tpu.memory_space<vmem>>, vector<16xf32>,
    %convert_element_type3A_315 = arith.fptosi %get3A_314 : vector<16xf32> to vector<16xi32>
    %swap3A_316 = arith.constant 896 : index
    %swap3A_317 = tpu.vector_load %arg4[%swap3A_316] {strides = array<i32>} : memref<1040xi32, #tpu.memory_space<vmem>>, vector<16xi32>,
    tpu.vector_store %arg4[%swap3A_316], %convert_element_type3A_315 {strides = array<i32>} : memref<1040xi32, #tpu.memory_space<vmem>>, vector<16xi32>,
    %get3A_318 = arith.constant 912 : index
    %get3A_319 = tpu.vector_load %arg5[%get3A_318] {strides = array<i32>} : memref<1024xf32, #tpu.memory_space<vmem>>, vector<16xf32>,
    %convert_element_type3A_320 = arith.fptosi %get3A_319 : vector<16xf32> to vector<16xi32>
    %swap3A_321 = arith.constant 912 : index
    %swap3A_322 = tpu.vector_load %arg4[%swap3A_321] {strides = array<i32>} : memref<1040xi32, #tpu.memory_space<vmem>>, vector<16xi32>,
    tpu.vector_store %arg4[%swap3A_321], %convert_element_type3A_320 {strides = array<i32>} : memref<1040xi32, #tpu.memory_space<vmem>>, vector<16xi32>,
    %get3A_323 = arith.constant 928 : index
    %get3A_324 = tpu.vector_load %arg5[%get3A_323] {strides = array<i32>} : memref<1024xf32, #tpu.memory_space<vmem>>, vector<16xf32>,
    %convert_element_type3A_325 = arith.fptosi %get3A_324 : vector<16xf32> to vector<16xi32>
    %swap3A_326 = arith.constant 928 : index
    %swap3A_327 = tpu.vector_load %arg4[%swap3A_326] {strides = array<i32>} : memref<1040xi32, #tpu.memory_space<vmem>>, vector<16xi32>,
    tpu.vector_store %arg4[%swap3A_326], %convert_element_type3A_325 {strides = array<i32>} : memref<1040xi32, #tpu.memory_space<vmem>>, vector<16xi32>,
    %get3A_328 = arith.constant 944 : index
    %get3A_329 = tpu.vector_load %arg5[%get3A_328] {strides = array<i32>} : memref<1024xf32, #tpu.memory_space<vmem>>, vector<16xf32>,
    %convert_element_type3A_330 = arith.fptosi %get3A_329 : vector<16xf32> to vector<16xi32>
    %swap3A_331 = arith.constant 944 : index
    %swap3A_332 = tpu.vector_load %arg4[%swap3A_331] {strides = array<i32>} : memref<1040xi32, #tpu.memory_space<vmem>>, vector<16xi32>,
    tpu.vector_store %arg4[%swap3A_331], %convert_element_type3A_330 {strides = array<i32>} : memref<1040xi32, #tpu.memory_space<vmem>>, vector<16xi32>,
    %get3A_333 = arith.constant 960 : index
    %get3A_334 = tpu.vector_load %arg5[%get3A_333] {strides = array<i32>} : memref<1024xf32, #tpu.memory_space<vmem>>, vector<16xf32>,
    %convert_element_type3A_335 = arith.fptosi %get3A_334 : vector<16xf32> to vector<16xi32>
    %swap3A_336 = arith.constant 960 : index
    %swap3A_337 = tpu.vector_load %arg4[%swap3A_336] {strides = array<i32>} : memref<1040xi32, #tpu.memory_space<vmem>>, vector<16xi32>,
    tpu.vector_store %arg4[%swap3A_336], %convert_element_type3A_335 {strides = array<i32>} : memref<1040xi32, #tpu.memory_space<vmem>>, vector<16xi32>,
    %get3A_338 = arith.constant 976 : index
    %get3A_339 = tpu.vector_load %arg5[%get3A_338] {strides = array<i32>} : memref<1024xf32, #tpu.memory_space<vmem>>, vector<16xf32>,
    %convert_element_type3A_340 = arith.fptosi %get3A_339 : vector<16xf32> to vector<16xi32>
    %swap3A_341 = arith.constant 976 : index
    %swap3A_342 = tpu.vector_load %arg4[%swap3A_341] {strides = array<i32>} : memref<1040xi32, #tpu.memory_space<vmem>>, vector<16xi32>,
    tpu.vector_store %arg4[%swap3A_341], %convert_element_type3A_340 {strides = array<i32>} : memref<1040xi32, #tpu.memory_space<vmem>>, vector<16xi32>,
    %get3A_343 = arith.constant 992 : index
    %get3A_344 = tpu.vector_load %arg5[%get3A_343] {strides = array<i32>} : memref<1024xf32, #tpu.memory_space<vmem>>, vector<16xf32>,
    %convert_element_type3A_345 = arith.fptosi %get3A_344 : vector<16xf32> to vector<16xi32>
    %swap3A_346 = arith.constant 992 : index
    %swap3A_347 = tpu.vector_load %arg4[%swap3A_346] {strides = array<i32>} : memref<1040xi32, #tpu.memory_space<vmem>>, vector<16xi32>,
    tpu.vector_store %arg4[%swap3A_346], %convert_element_type3A_345 {strides = array<i32>} : memref<1040xi32, #tpu.memory_space<vmem>>, vector<16xi32>,
    %get3A_348 = arith.constant 1008 : index
    %get3A_349 = tpu.vector_load %arg5[%get3A_348] {strides = array<i32>} : memref<1024xf32, #tpu.memory_space<vmem>>, vector<16xf32>,
    %convert_element_type3A_350 = arith.fptosi %get3A_349 : vector<16xf32> to vector<16xi32>
    %swap3A_351 = arith.constant 1008 : index
    %swap3A_352 = tpu.vector_load %arg4[%swap3A_351] {strides = array<i32>} : memref<1040xi32, #tpu.memory_space<vmem>>, vector<16xi32>,
    tpu.vector_store %arg4[%swap3A_351], %convert_element_type3A_350 {strides = array<i32>} : memref<1040xi32, #tpu.memory_space<vmem>>, vector<16xi32>,
    %scan3A = arith.constant 0 : i32
    %scan3A_353 = arith.constant 0 : i32
    %scan3A_354 = arith.constant 64 : i32
    %scan3A_355 = arith.addi %scan3A_353, %scan3A_354 : i32
    %scan3A_356 = arith.constant 4 : i32
    scf.for %scan3A_1006 = %scan3A_353 to %scan3A_355 step %scan3A_356  : i32 {
      %mul3A_1007 = arith.constant 16 : i32
      %mul3A_1008 = arith.muli %mul3A_1007, %scan3A_1006 : i32
      %get3A_1009 = arith.index_cast %mul3A_1008 : i32 to index
      %get3A_1010 = tpu.vector_load %arg4[%get3A_1009] {strides = array<i32>} : memref<1040xi32, #tpu.memory_space<vmem>>, vector<16xi32>,
      %broadcast_in_dim3A_1011 = arith.constant true
      %broadcast_in_dim3A_1012 = vector.broadcast %broadcast_in_dim3A_1011 : i1 to vector<16xi1>
      %unique3A, %unique3A_1013 = tpu.scan_count mask(%broadcast_in_dim3A_1012 : vector<16xi1>) value(%get3A_1010 : vector<16xi32>) : vector<16xi1>, vector<16xi32>
      %convert_element_type3A_1014 = arith.sitofp %unique3A_1013 : vector<16xi32> to vector<16xf32>
      tpu.vector_store_idx %arg6[%get3A_1010], %convert_element_type3A_1014 masked %unique3A {add = true} : memref<128xf32, #tpu.memory_space<vmem>>[vector<16xi32>], vector<16xf32>, vector<16xi1>
      %scan3A_1015 = arith.constant 1 : i32
      %scan3A_1016 = arith.addi %scan3A_1006, %scan3A_1015 : i32
      %mul3A_1017 = arith.constant 16 : i32
      %mul3A_1018 = arith.muli %mul3A_1017, %scan3A_1016 : i32
      %get3A_1019 = arith.index_cast %mul3A_1018 : i32 to index
      %get3A_1020 = tpu.vector_load %arg4[%get3A_1019] {strides = array<i32>} : memref<1040xi32, #tpu.memory_space<vmem>>, vector<16xi32>,
      %broadcast_in_dim3A_1021 = arith.constant true
      %broadcast_in_dim3A_1022 = vector.broadcast %broadcast_in_dim3A_1021 : i1 to vector<16xi1>
      %unique3A_1023, %unique3A_1024 = tpu.scan_count mask(%broadcast_in_dim3A_1022 : vector<16xi1>) value(%get3A_1020 : vector<16xi32>) : vector<16xi1>, vector<16xi32>
      %convert_element_type3A_1025 = arith.sitofp %unique3A_1024 : vector<16xi32> to vector<16xf32>
      tpu.vector_store_idx %arg6[%get3A_1020], %convert_element_type3A_1025 masked %unique3A_1023 {add = true} : memref<128xf32, #tpu.memory_space<vmem>>[vector<16xi32>], vector<16xf32>, vector<16xi1>
      %scan3A_1026 = arith.constant 2 : i32
      %scan3A_1027 = arith.addi %scan3A_1006, %scan3A_1026 : i32
      %mul3A_1028 = arith.constant 16 : i32
      %mul3A_1029 = arith.muli %mul3A_1028, %scan3A_1027 : i32
      %get3A_1030 = arith.index_cast %mul3A_1029 : i32 to index
      %get3A_1031 = tpu.vector_load %arg4[%get3A_1030] {strides = array<i32>} : memref<1040xi32, #tpu.memory_space<vmem>>, vector<16xi32>,
      %broadcast_in_dim3A_1032 = arith.constant true
      %broadcast_in_dim3A_1033 = vector.broadcast %broadcast_in_dim3A_1032 : i1 to vector<16xi1>
      %unique3A_1034, %unique3A_1035 = tpu.scan_count mask(%broadcast_in_dim3A_1033 : vector<16xi1>) value(%get3A_1031 : vector<16xi32>) : vector<16xi1>, vector<16xi32>
      %convert_element_type3A_1036 = arith.sitofp %unique3A_1035 : vector<16xi32> to vector<16xf32>
      tpu.vector_store_idx %arg6[%get3A_1031], %convert_element_type3A_1036 masked %unique3A_1034 {add = true} : memref<128xf32, #tpu.memory_space<vmem>>[vector<16xi32>], vector<16xf32>, vector<16xi1>
      %scan3A_1037 = arith.constant 3 : i32
      %scan3A_1038 = arith.addi %scan3A_1006, %scan3A_1037 : i32
      %mul3A_1039 = arith.constant 16 : i32
      %mul3A_1040 = arith.muli %mul3A_1039, %scan3A_1038 : i32
      %get3A_1041 = arith.index_cast %mul3A_1040 : i32 to index
      %get3A_1042 = tpu.vector_load %arg4[%get3A_1041] {strides = array<i32>} : memref<1040xi32, #tpu.memory_space<vmem>>, vector<16xi32>,
      %broadcast_in_dim3A_1043 = arith.constant true
      %broadcast_in_dim3A_1044 = vector.broadcast %broadcast_in_dim3A_1043 : i1 to vector<16xi1>
      %unique3A_1045, %unique3A_1046 = tpu.scan_count mask(%broadcast_in_dim3A_1044 : vector<16xi1>) value(%get3A_1042 : vector<16xi32>) : vector<16xi1>, vector<16xi32>
      %convert_element_type3A_1047 = arith.sitofp %unique3A_1046 : vector<16xi32> to vector<16xf32>
      tpu.vector_store_idx %arg6[%get3A_1042], %convert_element_type3A_1047 masked %unique3A_1045 {add = true} : memref<128xf32, #tpu.memory_space<vmem>>[vector<16xi32>], vector<16xf32>, vector<16xi1>
    }
    %scan3A_357 = arith.constant 64 : i32
    "tpu.region"() ({
      %run_scoped3A = tpu.sem_alloc : memref<!tpu.dma_semaphore, #tpu.memory_space<semaphore_mem>>
      %dma_start3A_1006 = arith.constant 0 : i32
      %dma_start3A_1007 = tpu.memref_slice %arg8[%arg1, %dma_start3A_1006] : memref<16x128xf32, #tpu.memory_space<vmem_shared>> -> memref<1x128xf32, #tpu.memory_space<vmem_shared>>
      %dma_start3A_1008 = tpu.memref_squeeze %dma_start3A_1007 : memref<1x128xf32, #tpu.memory_space<vmem_shared>> -> memref<128xf32, #tpu.memory_space<vmem_shared>>
      %dma_start3A_1009 = arith.constant 0 : i32
      %dma_start3A_1010 = tpu.memref_slice %arg8[%arg1, %dma_start3A_1009] : memref<16x128xf32, #tpu.memory_space<vmem_shared>> -> memref<1x128xf32, #tpu.memory_space<vmem_shared>>
      %dma_start3A_1011 = tpu.memref_squeeze %dma_start3A_1010 : memref<1x128xf32, #tpu.memory_space<vmem_shared>> -> memref<128xf32, #tpu.memory_space<vmem_shared>>
      tpu.enqueue_dma source(%arg6 : memref<128xf32, #tpu.memory_space<vmem>>) target(%dma_start3A_1011 : memref<128xf32, #tpu.memory_space<vmem_shared>>) target_semaphore(%run_scoped3A : memref<!tpu.dma_semaphore, #tpu.memory_space<semaphore_mem>>)
      %dma_wait3A_1012 = arith.constant 0 : i32
      %dma_wait3A_1013 = tpu.memref_slice %arg8[%arg1, %dma_wait3A_1012] : memref<16x128xf32, #tpu.memory_space<vmem_shared>> -> memref<1x128xf32, #tpu.memory_space<vmem_shared>>
      %dma_wait3A_1014 = tpu.memref_squeeze %dma_wait3A_1013 : memref<1x128xf32, #tpu.memory_space<vmem_shared>> -> memref<128xf32, #tpu.memory_space<vmem_shared>>
      %dma_wait3A_1015 = arith.constant 0 : i32
      %dma_wait3A_1016 = tpu.memref_slice %arg8[%arg1, %dma_wait3A_1015] : memref<16x128xf32, #tpu.memory_space<vmem_shared>> -> memref<1x128xf32, #tpu.memory_space<vmem_shared>>
      %dma_wait3A_1017 = tpu.memref_squeeze %dma_wait3A_1016 : memref<1x128xf32, #tpu.memory_space<vmem_shared>> -> memref<128xf32, #tpu.memory_space<vmem_shared>>
      tpu.wait_dma2 semaphore(%run_scoped3A : memref<!tpu.dma_semaphore, #tpu.memory_space<semaphore_mem>>) src(%arg6 : memref<128xf32, #tpu.memory_space<vmem>>) dst(%dma_wait3A_1017 : memref<128xf32, #tpu.memory_space<vmem_shared>>)
      tpu.yield
    }) : () -> ()
    %barrier3A = arith.constant 0 : index
    tpu.barrier barrier_id(%barrier3A)
    "tpu.region"() ({
      %run_scoped3A = tpu.sem_alloc : memref<!tpu.dma_semaphore, #tpu.memory_space<semaphore_mem>>
      tpu.enqueue_dma source(%arg8 : memref<16x128xf32, #tpu.memory_space<vmem_shared>>) target(%arg7 : memref<16x128xf32, #tpu.memory_space<vmem>>) target_semaphore(%run_scoped3A : memref<!tpu.dma_semaphore, #tpu.memory_space<semaphore_mem>>)
      tpu.wait_dma2 semaphore(%run_scoped3A : memref<!tpu.dma_semaphore, #tpu.memory_space<semaphore_mem>>) src(%arg8 : memref<16x128xf32, #tpu.memory_space<vmem_shared>>) dst(%arg7 : memref<16x128xf32, #tpu.memory_space<vmem>>)
      tpu.yield
    }) : () -> ()
    %get3A_358 = arith.constant 0 : i32
    %get3A_359 = arith.index_cast %get3A_358 : i32 to index
    %get3A_360 = arith.constant 0 : index
    %get3A_361 = tpu.vector_load %arg7[%get3A_359, %get3A_360] {strides = array<i32>} : memref<16x128xf32, #tpu.memory_space<vmem>>, vector<16xf32>,
    %get3A_362 = arith.constant 1 : i32
    %get3A_363 = arith.index_cast %get3A_362 : i32 to index
    %get3A_364 = arith.constant 0 : index
    %get3A_365 = tpu.vector_load %arg7[%get3A_363, %get3A_364] {strides = array<i32>} : memref<16x128xf32, #tpu.memory_space<vmem>>, vector<16xf32>,
    %add3A_366 = arith.addf %get3A_361, %get3A_365 : vector<16xf32>
    %get3A_367 = arith.constant 2 : i32
    %get3A_368 = arith.index_cast %get3A_367 : i32 to index
    %get3A_369 = arith.constant 0 : index
    %get3A_370 = tpu.vector_load %arg7[%get3A_368, %get3A_369] {strides = array<i32>} : memref<16x128xf32, #tpu.memory_space<vmem>>, vector<16xf32>,
    %add3A_371 = arith.addf %add3A_366, %get3A_370 : vector<16xf32>
    %get3A_372 = arith.constant 3 : i32
    %get3A_373 = arith.index_cast %get3A_372 : i32 to index
    %get3A_374 = arith.constant 0 : index
    %get3A_375 = tpu.vector_load %arg7[%get3A_373, %get3A_374] {strides = array<i32>} : memref<16x128xf32, #tpu.memory_space<vmem>>, vector<16xf32>,
    %add3A_376 = arith.addf %add3A_371, %get3A_375 : vector<16xf32>
    %get3A_377 = arith.constant 4 : i32
    %get3A_378 = arith.index_cast %get3A_377 : i32 to index
    %get3A_379 = arith.constant 0 : index
    %get3A_380 = tpu.vector_load %arg7[%get3A_378, %get3A_379] {strides = array<i32>} : memref<16x128xf32, #tpu.memory_space<vmem>>, vector<16xf32>,
    %add3A_381 = arith.addf %add3A_376, %get3A_380 : vector<16xf32>
    %get3A_382 = arith.constant 5 : i32
    %get3A_383 = arith.index_cast %get3A_382 : i32 to index
    %get3A_384 = arith.constant 0 : index
    %get3A_385 = tpu.vector_load %arg7[%get3A_383, %get3A_384] {strides = array<i32>} : memref<16x128xf32, #tpu.memory_space<vmem>>, vector<16xf32>,
    %add3A_386 = arith.addf %add3A_381, %get3A_385 : vector<16xf32>
    %get3A_387 = arith.constant 6 : i32
    %get3A_388 = arith.index_cast %get3A_387 : i32 to index
    %get3A_389 = arith.constant 0 : index
    %get3A_390 = tpu.vector_load %arg7[%get3A_388, %get3A_389] {strides = array<i32>} : memref<16x128xf32, #tpu.memory_space<vmem>>, vector<16xf32>,
    %add3A_391 = arith.addf %add3A_386, %get3A_390 : vector<16xf32>
    %get3A_392 = arith.constant 7 : i32
    %get3A_393 = arith.index_cast %get3A_392 : i32 to index
    %get3A_394 = arith.constant 0 : index
    %get3A_395 = tpu.vector_load %arg7[%get3A_393, %get3A_394] {strides = array<i32>} : memref<16x128xf32, #tpu.memory_space<vmem>>, vector<16xf32>,
    %add3A_396 = arith.addf %add3A_391, %get3A_395 : vector<16xf32>
    %get3A_397 = arith.constant 8 : i32
    %get3A_398 = arith.index_cast %get3A_397 : i32 to index
    %get3A_399 = arith.constant 0 : index
    %get3A_400 = tpu.vector_load %arg7[%get3A_398, %get3A_399] {strides = array<i32>} : memref<16x128xf32, #tpu.memory_space<vmem>>, vector<16xf32>,
    %add3A_401 = arith.addf %add3A_396, %get3A_400 : vector<16xf32>
    %get3A_402 = arith.constant 9 : i32
    %get3A_403 = arith.index_cast %get3A_402 : i32 to index
    %get3A_404 = arith.constant 0 : index
    %get3A_405 = tpu.vector_load %arg7[%get3A_403, %get3A_404] {strides = array<i32>} : memref<16x128xf32, #tpu.memory_space<vmem>>, vector<16xf32>,
    %add3A_406 = arith.addf %add3A_401, %get3A_405 : vector<16xf32>
    %get3A_407 = arith.constant 10 : i32
    %get3A_408 = arith.index_cast %get3A_407 : i32 to index
    %get3A_409 = arith.constant 0 : index
    %get3A_410 = tpu.vector_load %arg7[%get3A_408, %get3A_409] {strides = array<i32>} : memref<16x128xf32, #tpu.memory_space<vmem>>, vector<16xf32>,
    %add3A_411 = arith.addf %add3A_406, %get3A_410 : vector<16xf32>
    %get3A_412 = arith.constant 11 : i32
    %get3A_413 = arith.index_cast %get3A_412 : i32 to index
    %get3A_414 = arith.constant 0 : index
    %get3A_415 = tpu.vector_load %arg7[%get3A_413, %get3A_414] {strides = array<i32>} : memref<16x128xf32, #tpu.memory_space<vmem>>, vector<16xf32>,
    %add3A_416 = arith.addf %add3A_411, %get3A_415 : vector<16xf32>
    %get3A_417 = arith.constant 12 : i32
    %get3A_418 = arith.index_cast %get3A_417 : i32 to index
    %get3A_419 = arith.constant 0 : index
    %get3A_420 = tpu.vector_load %arg7[%get3A_418, %get3A_419] {strides = array<i32>} : memref<16x128xf32, #tpu.memory_space<vmem>>, vector<16xf32>,
    %add3A_421 = arith.addf %add3A_416, %get3A_420 : vector<16xf32>
    %get3A_422 = arith.constant 13 : i32
    %get3A_423 = arith.index_cast %get3A_422 : i32 to index
    %get3A_424 = arith.constant 0 : index
    %get3A_425 = tpu.vector_load %arg7[%get3A_423, %get3A_424] {strides = array<i32>} : memref<16x128xf32, #tpu.memory_space<vmem>>, vector<16xf32>,
    %add3A_426 = arith.addf %add3A_421, %get3A_425 : vector<16xf32>
    %get3A_427 = arith.constant 14 : i32
    %get3A_428 = arith.index_cast %get3A_427 : i32 to index
    %get3A_429 = arith.constant 0 : index
    %get3A_430 = tpu.vector_load %arg7[%get3A_428, %get3A_429] {strides = array<i32>} : memref<16x128xf32, #tpu.memory_space<vmem>>, vector<16xf32>,
    %add3A_431 = arith.addf %add3A_426, %get3A_430 : vector<16xf32>
    %get3A_432 = arith.constant 15 : i32
    %get3A_433 = arith.index_cast %get3A_432 : i32 to index
    %get3A_434 = arith.constant 0 : index
    %get3A_435 = tpu.vector_load %arg7[%get3A_433, %get3A_434] {strides = array<i32>} : memref<16x128xf32, #tpu.memory_space<vmem>>, vector<16xf32>,
    %add3A_436 = arith.addf %add3A_431, %get3A_435 : vector<16xf32>
    %swap3A_437 = arith.constant 0 : index
    %swap3A_438 = tpu.vector_load %arg6[%swap3A_437] {strides = array<i32>} : memref<128xf32, #tpu.memory_space<vmem>>, vector<16xf32>,
    tpu.vector_store %arg6[%swap3A_437], %add3A_436 {strides = array<i32>} : memref<128xf32, #tpu.memory_space<vmem>>, vector<16xf32>,
    %get3A_439 = arith.constant 0 : i32
    %get3A_440 = arith.index_cast %get3A_439 : i32 to index
    %get3A_441 = arith.constant 16 : index
    %get3A_442 = tpu.vector_load %arg7[%get3A_440, %get3A_441] {strides = array<i32>} : memref<16x128xf32, #tpu.memory_space<vmem>>, vector<16xf32>,
    %get3A_443 = arith.constant 1 : i32
    %get3A_444 = arith.index_cast %get3A_443 : i32 to index
    %get3A_445 = arith.constant 16 : index
    %get3A_446 = tpu.vector_load %arg7[%get3A_444, %get3A_445] {strides = array<i32>} : memref<16x128xf32, #tpu.memory_space<vmem>>, vector<16xf32>,
    %add3A_447 = arith.addf %get3A_442, %get3A_446 : vector<16xf32>
    %get3A_448 = arith.constant 2 : i32
    %get3A_449 = arith.index_cast %get3A_448 : i32 to index
    %get3A_450 = arith.constant 16 : index
    %get3A_451 = tpu.vector_load %arg7[%get3A_449, %get3A_450] {strides = array<i32>} : memref<16x128xf32, #tpu.memory_space<vmem>>, vector<16xf32>,
    %add3A_452 = arith.addf %add3A_447, %get3A_451 : vector<16xf32>
    %get3A_453 = arith.constant 3 : i32
    %get3A_454 = arith.index_cast %get3A_453 : i32 to index
    %get3A_455 = arith.constant 16 : index
    %get3A_456 = tpu.vector_load %arg7[%get3A_454, %get3A_455] {strides = array<i32>} : memref<16x128xf32, #tpu.memory_space<vmem>>, vector<16xf32>,
    %add3A_457 = arith.addf %add3A_452, %get3A_456 : vector<16xf32>
    %get3A_458 = arith.constant 4 : i32
    %get3A_459 = arith.index_cast %get3A_458 : i32 to index
    %get3A_460 = arith.constant 16 : index
    %get3A_461 = tpu.vector_load %arg7[%get3A_459, %get3A_460] {strides = array<i32>} : memref<16x128xf32, #tpu.memory_space<vmem>>, vector<16xf32>,
    %add3A_462 = arith.addf %add3A_457, %get3A_461 : vector<16xf32>
    %get3A_463 = arith.constant 5 : i32
    %get3A_464 = arith.index_cast %get3A_463 : i32 to index
    %get3A_465 = arith.constant 16 : index
    %get3A_466 = tpu.vector_load %arg7[%get3A_464, %get3A_465] {strides = array<i32>} : memref<16x128xf32, #tpu.memory_space<vmem>>, vector<16xf32>,
    %add3A_467 = arith.addf %add3A_462, %get3A_466 : vector<16xf32>
    %get3A_468 = arith.constant 6 : i32
    %get3A_469 = arith.index_cast %get3A_468 : i32 to index
    %get3A_470 = arith.constant 16 : index
    %get3A_471 = tpu.vector_load %arg7[%get3A_469, %get3A_470] {strides = array<i32>} : memref<16x128xf32, #tpu.memory_space<vmem>>, vector<16xf32>,
    %add3A_472 = arith.addf %add3A_467, %get3A_471 : vector<16xf32>
    %get3A_473 = arith.constant 7 : i32
    %get3A_474 = arith.index_cast %get3A_473 : i32 to index
    %get3A_475 = arith.constant 16 : index
    %get3A_476 = tpu.vector_load %arg7[%get3A_474, %get3A_475] {strides = array<i32>} : memref<16x128xf32, #tpu.memory_space<vmem>>, vector<16xf32>,
    %add3A_477 = arith.addf %add3A_472, %get3A_476 : vector<16xf32>
    %get3A_478 = arith.constant 8 : i32
    %get3A_479 = arith.index_cast %get3A_478 : i32 to index
    %get3A_480 = arith.constant 16 : index
    %get3A_481 = tpu.vector_load %arg7[%get3A_479, %get3A_480] {strides = array<i32>} : memref<16x128xf32, #tpu.memory_space<vmem>>, vector<16xf32>,
    %add3A_482 = arith.addf %add3A_477, %get3A_481 : vector<16xf32>
    %get3A_483 = arith.constant 9 : i32
    %get3A_484 = arith.index_cast %get3A_483 : i32 to index
    %get3A_485 = arith.constant 16 : index
    %get3A_486 = tpu.vector_load %arg7[%get3A_484, %get3A_485] {strides = array<i32>} : memref<16x128xf32, #tpu.memory_space<vmem>>, vector<16xf32>,
    %add3A_487 = arith.addf %add3A_482, %get3A_486 : vector<16xf32>
    %get3A_488 = arith.constant 10 : i32
    %get3A_489 = arith.index_cast %get3A_488 : i32 to index
    %get3A_490 = arith.constant 16 : index
    %get3A_491 = tpu.vector_load %arg7[%get3A_489, %get3A_490] {strides = array<i32>} : memref<16x128xf32, #tpu.memory_space<vmem>>, vector<16xf32>,
    %add3A_492 = arith.addf %add3A_487, %get3A_491 : vector<16xf32>
    %get3A_493 = arith.constant 11 : i32
    %get3A_494 = arith.index_cast %get3A_493 : i32 to index
    %get3A_495 = arith.constant 16 : index
    %get3A_496 = tpu.vector_load %arg7[%get3A_494, %get3A_495] {strides = array<i32>} : memref<16x128xf32, #tpu.memory_space<vmem>>, vector<16xf32>,
    %add3A_497 = arith.addf %add3A_492, %get3A_496 : vector<16xf32>
    %get3A_498 = arith.constant 12 : i32
    %get3A_499 = arith.index_cast %get3A_498 : i32 to index
    %get3A_500 = arith.constant 16 : index
    %get3A_501 = tpu.vector_load %arg7[%get3A_499, %get3A_500] {strides = array<i32>} : memref<16x128xf32, #tpu.memory_space<vmem>>, vector<16xf32>,
    %add3A_502 = arith.addf %add3A_497, %get3A_501 : vector<16xf32>
    %get3A_503 = arith.constant 13 : i32
    %get3A_504 = arith.index_cast %get3A_503 : i32 to index
    %get3A_505 = arith.constant 16 : index
    %get3A_506 = tpu.vector_load %arg7[%get3A_504, %get3A_505] {strides = array<i32>} : memref<16x128xf32, #tpu.memory_space<vmem>>, vector<16xf32>,
    %add3A_507 = arith.addf %add3A_502, %get3A_506 : vector<16xf32>
    %get3A_508 = arith.constant 14 : i32
    %get3A_509 = arith.index_cast %get3A_508 : i32 to index
    %get3A_510 = arith.constant 16 : index
    %get3A_511 = tpu.vector_load %arg7[%get3A_509, %get3A_510] {strides = array<i32>} : memref<16x128xf32, #tpu.memory_space<vmem>>, vector<16xf32>,
    %add3A_512 = arith.addf %add3A_507, %get3A_511 : vector<16xf32>
    %get3A_513 = arith.constant 15 : i32
    %get3A_514 = arith.index_cast %get3A_513 : i32 to index
    %get3A_515 = arith.constant 16 : index
    %get3A_516 = tpu.vector_load %arg7[%get3A_514, %get3A_515] {strides = array<i32>} : memref<16x128xf32, #tpu.memory_space<vmem>>, vector<16xf32>,
    %add3A_517 = arith.addf %add3A_512, %get3A_516 : vector<16xf32>
    %swap3A_518 = arith.constant 16 : index
    %swap3A_519 = tpu.vector_load %arg6[%swap3A_518] {strides = array<i32>} : memref<128xf32, #tpu.memory_space<vmem>>, vector<16xf32>,
    tpu.vector_store %arg6[%swap3A_518], %add3A_517 {strides = array<i32>} : memref<128xf32, #tpu.memory_space<vmem>>, vector<16xf32>,
    %get3A_520 = arith.constant 0 : i32
    %get3A_521 = arith.index_cast %get3A_520 : i32 to index
    %get3A_522 = arith.constant 32 : index
    %get3A_523 = tpu.vector_load %arg7[%get3A_521, %get3A_522] {strides = array<i32>} : memref<16x128xf32, #tpu.memory_space<vmem>>, vector<16xf32>,
    %get3A_524 = arith.constant 1 : i32
    %get3A_525 = arith.index_cast %get3A_524 : i32 to index
    %get3A_526 = arith.constant 32 : index
    %get3A_527 = tpu.vector_load %arg7[%get3A_525, %get3A_526] {strides = array<i32>} : memref<16x128xf32, #tpu.memory_space<vmem>>, vector<16xf32>,
    %add3A_528 = arith.addf %get3A_523, %get3A_527 : vector<16xf32>
    %get3A_529 = arith.constant 2 : i32
    %get3A_530 = arith.index_cast %get3A_529 : i32 to index
    %get3A_531 = arith.constant 32 : index
    %get3A_532 = tpu.vector_load %arg7[%get3A_530, %get3A_531] {strides = array<i32>} : memref<16x128xf32, #tpu.memory_space<vmem>>, vector<16xf32>,
    %add3A_533 = arith.addf %add3A_528, %get3A_532 : vector<16xf32>
    %get3A_534 = arith.constant 3 : i32
    %get3A_535 = arith.index_cast %get3A_534 : i32 to index
    %get3A_536 = arith.constant 32 : index
    %get3A_537 = tpu.vector_load %arg7[%get3A_535, %get3A_536] {strides = array<i32>} : memref<16x128xf32, #tpu.memory_space<vmem>>, vector<16xf32>,
    %add3A_538 = arith.addf %add3A_533, %get3A_537 : vector<16xf32>
    %get3A_539 = arith.constant 4 : i32
    %get3A_540 = arith.index_cast %get3A_539 : i32 to index
    %get3A_541 = arith.constant 32 : index
    %get3A_542 = tpu.vector_load %arg7[%get3A_540, %get3A_541] {strides = array<i32>} : memref<16x128xf32, #tpu.memory_space<vmem>>, vector<16xf32>,
    %add3A_543 = arith.addf %add3A_538, %get3A_542 : vector<16xf32>
    %get3A_544 = arith.constant 5 : i32
    %get3A_545 = arith.index_cast %get3A_544 : i32 to index
    %get3A_546 = arith.constant 32 : index
    %get3A_547 = tpu.vector_load %arg7[%get3A_545, %get3A_546] {strides = array<i32>} : memref<16x128xf32, #tpu.memory_space<vmem>>, vector<16xf32>,
    %add3A_548 = arith.addf %add3A_543, %get3A_547 : vector<16xf32>
    %get3A_549 = arith.constant 6 : i32
    %get3A_550 = arith.index_cast %get3A_549 : i32 to index
    %get3A_551 = arith.constant 32 : index
    %get3A_552 = tpu.vector_load %arg7[%get3A_550, %get3A_551] {strides = array<i32>} : memref<16x128xf32, #tpu.memory_space<vmem>>, vector<16xf32>,
    %add3A_553 = arith.addf %add3A_548, %get3A_552 : vector<16xf32>
    %get3A_554 = arith.constant 7 : i32
    %get3A_555 = arith.index_cast %get3A_554 : i32 to index
    %get3A_556 = arith.constant 32 : index
    %get3A_557 = tpu.vector_load %arg7[%get3A_555, %get3A_556] {strides = array<i32>} : memref<16x128xf32, #tpu.memory_space<vmem>>, vector<16xf32>,
    %add3A_558 = arith.addf %add3A_553, %get3A_557 : vector<16xf32>
    %get3A_559 = arith.constant 8 : i32
    %get3A_560 = arith.index_cast %get3A_559 : i32 to index
    %get3A_561 = arith.constant 32 : index
    %get3A_562 = tpu.vector_load %arg7[%get3A_560, %get3A_561] {strides = array<i32>} : memref<16x128xf32, #tpu.memory_space<vmem>>, vector<16xf32>,
    %add3A_563 = arith.addf %add3A_558, %get3A_562 : vector<16xf32>
    %get3A_564 = arith.constant 9 : i32
    %get3A_565 = arith.index_cast %get3A_564 : i32 to index
    %get3A_566 = arith.constant 32 : index
    %get3A_567 = tpu.vector_load %arg7[%get3A_565, %get3A_566] {strides = array<i32>} : memref<16x128xf32, #tpu.memory_space<vmem>>, vector<16xf32>,
    %add3A_568 = arith.addf %add3A_563, %get3A_567 : vector<16xf32>
    %get3A_569 = arith.constant 10 : i32
    %get3A_570 = arith.index_cast %get3A_569 : i32 to index
    %get3A_571 = arith.constant 32 : index
    %get3A_572 = tpu.vector_load %arg7[%get3A_570, %get3A_571] {strides = array<i32>} : memref<16x128xf32, #tpu.memory_space<vmem>>, vector<16xf32>,
    %add3A_573 = arith.addf %add3A_568, %get3A_572 : vector<16xf32>
    %get3A_574 = arith.constant 11 : i32
    %get3A_575 = arith.index_cast %get3A_574 : i32 to index
    %get3A_576 = arith.constant 32 : index
    %get3A_577 = tpu.vector_load %arg7[%get3A_575, %get3A_576] {strides = array<i32>} : memref<16x128xf32, #tpu.memory_space<vmem>>, vector<16xf32>,
    %add3A_578 = arith.addf %add3A_573, %get3A_577 : vector<16xf32>
    %get3A_579 = arith.constant 12 : i32
    %get3A_580 = arith.index_cast %get3A_579 : i32 to index
    %get3A_581 = arith.constant 32 : index
    %get3A_582 = tpu.vector_load %arg7[%get3A_580, %get3A_581] {strides = array<i32>} : memref<16x128xf32, #tpu.memory_space<vmem>>, vector<16xf32>,
    %add3A_583 = arith.addf %add3A_578, %get3A_582 : vector<16xf32>
    %get3A_584 = arith.constant 13 : i32
    %get3A_585 = arith.index_cast %get3A_584 : i32 to index
    %get3A_586 = arith.constant 32 : index
    %get3A_587 = tpu.vector_load %arg7[%get3A_585, %get3A_586] {strides = array<i32>} : memref<16x128xf32, #tpu.memory_space<vmem>>, vector<16xf32>,
    %add3A_588 = arith.addf %add3A_583, %get3A_587 : vector<16xf32>
    %get3A_589 = arith.constant 14 : i32
    %get3A_590 = arith.index_cast %get3A_589 : i32 to index
    %get3A_591 = arith.constant 32 : index
    %get3A_592 = tpu.vector_load %arg7[%get3A_590, %get3A_591] {strides = array<i32>} : memref<16x128xf32, #tpu.memory_space<vmem>>, vector<16xf32>,
    %add3A_593 = arith.addf %add3A_588, %get3A_592 : vector<16xf32>
    %get3A_594 = arith.constant 15 : i32
    %get3A_595 = arith.index_cast %get3A_594 : i32 to index
    %get3A_596 = arith.constant 32 : index
    %get3A_597 = tpu.vector_load %arg7[%get3A_595, %get3A_596] {strides = array<i32>} : memref<16x128xf32, #tpu.memory_space<vmem>>, vector<16xf32>,
    %add3A_598 = arith.addf %add3A_593, %get3A_597 : vector<16xf32>
    %swap3A_599 = arith.constant 32 : index
    %swap3A_600 = tpu.vector_load %arg6[%swap3A_599] {strides = array<i32>} : memref<128xf32, #tpu.memory_space<vmem>>, vector<16xf32>,
    tpu.vector_store %arg6[%swap3A_599], %add3A_598 {strides = array<i32>} : memref<128xf32, #tpu.memory_space<vmem>>, vector<16xf32>,
    %get3A_601 = arith.constant 0 : i32
    %get3A_602 = arith.index_cast %get3A_601 : i32 to index
    %get3A_603 = arith.constant 48 : index
    %get3A_604 = tpu.vector_load %arg7[%get3A_602, %get3A_603] {strides = array<i32>} : memref<16x128xf32, #tpu.memory_space<vmem>>, vector<16xf32>,
    %get3A_605 = arith.constant 1 : i32
    %get3A_606 = arith.index_cast %get3A_605 : i32 to index
    %get3A_607 = arith.constant 48 : index
    %get3A_608 = tpu.vector_load %arg7[%get3A_606, %get3A_607] {strides = array<i32>} : memref<16x128xf32, #tpu.memory_space<vmem>>, vector<16xf32>,
    %add3A_609 = arith.addf %get3A_604, %get3A_608 : vector<16xf32>
    %get3A_610 = arith.constant 2 : i32
    %get3A_611 = arith.index_cast %get3A_610 : i32 to index
    %get3A_612 = arith.constant 48 : index
    %get3A_613 = tpu.vector_load %arg7[%get3A_611, %get3A_612] {strides = array<i32>} : memref<16x128xf32, #tpu.memory_space<vmem>>, vector<16xf32>,
    %add3A_614 = arith.addf %add3A_609, %get3A_613 : vector<16xf32>
    %get3A_615 = arith.constant 3 : i32
    %get3A_616 = arith.index_cast %get3A_615 : i32 to index
    %get3A_617 = arith.constant 48 : index
    %get3A_618 = tpu.vector_load %arg7[%get3A_616, %get3A_617] {strides = array<i32>} : memref<16x128xf32, #tpu.memory_space<vmem>>, vector<16xf32>,
    %add3A_619 = arith.addf %add3A_614, %get3A_618 : vector<16xf32>
    %get3A_620 = arith.constant 4 : i32
    %get3A_621 = arith.index_cast %get3A_620 : i32 to index
    %get3A_622 = arith.constant 48 : index
    %get3A_623 = tpu.vector_load %arg7[%get3A_621, %get3A_622] {strides = array<i32>} : memref<16x128xf32, #tpu.memory_space<vmem>>, vector<16xf32>,
    %add3A_624 = arith.addf %add3A_619, %get3A_623 : vector<16xf32>
    %get3A_625 = arith.constant 5 : i32
    %get3A_626 = arith.index_cast %get3A_625 : i32 to index
    %get3A_627 = arith.constant 48 : index
    %get3A_628 = tpu.vector_load %arg7[%get3A_626, %get3A_627] {strides = array<i32>} : memref<16x128xf32, #tpu.memory_space<vmem>>, vector<16xf32>,
    %add3A_629 = arith.addf %add3A_624, %get3A_628 : vector<16xf32>
    %get3A_630 = arith.constant 6 : i32
    %get3A_631 = arith.index_cast %get3A_630 : i32 to index
    %get3A_632 = arith.constant 48 : index
    %get3A_633 = tpu.vector_load %arg7[%get3A_631, %get3A_632] {strides = array<i32>} : memref<16x128xf32, #tpu.memory_space<vmem>>, vector<16xf32>,
    %add3A_634 = arith.addf %add3A_629, %get3A_633 : vector<16xf32>
    %get3A_635 = arith.constant 7 : i32
    %get3A_636 = arith.index_cast %get3A_635 : i32 to index
    %get3A_637 = arith.constant 48 : index
    %get3A_638 = tpu.vector_load %arg7[%get3A_636, %get3A_637] {strides = array<i32>} : memref<16x128xf32, #tpu.memory_space<vmem>>, vector<16xf32>,
    %add3A_639 = arith.addf %add3A_634, %get3A_638 : vector<16xf32>
    %get3A_640 = arith.constant 8 : i32
    %get3A_641 = arith.index_cast %get3A_640 : i32 to index
    %get3A_642 = arith.constant 48 : index
    %get3A_643 = tpu.vector_load %arg7[%get3A_641, %get3A_642] {strides = array<i32>} : memref<16x128xf32, #tpu.memory_space<vmem>>, vector<16xf32>,
    %add3A_644 = arith.addf %add3A_639, %get3A_643 : vector<16xf32>
    %get3A_645 = arith.constant 9 : i32
    %get3A_646 = arith.index_cast %get3A_645 : i32 to index
    %get3A_647 = arith.constant 48 : index
    %get3A_648 = tpu.vector_load %arg7[%get3A_646, %get3A_647] {strides = array<i32>} : memref<16x128xf32, #tpu.memory_space<vmem>>, vector<16xf32>,
    %add3A_649 = arith.addf %add3A_644, %get3A_648 : vector<16xf32>
    %get3A_650 = arith.constant 10 : i32
    %get3A_651 = arith.index_cast %get3A_650 : i32 to index
    %get3A_652 = arith.constant 48 : index
    %get3A_653 = tpu.vector_load %arg7[%get3A_651, %get3A_652] {strides = array<i32>} : memref<16x128xf32, #tpu.memory_space<vmem>>, vector<16xf32>,
    %add3A_654 = arith.addf %add3A_649, %get3A_653 : vector<16xf32>
    %get3A_655 = arith.constant 11 : i32
    %get3A_656 = arith.index_cast %get3A_655 : i32 to index
    %get3A_657 = arith.constant 48 : index
    %get3A_658 = tpu.vector_load %arg7[%get3A_656, %get3A_657] {strides = array<i32>} : memref<16x128xf32, #tpu.memory_space<vmem>>, vector<16xf32>,
    %add3A_659 = arith.addf %add3A_654, %get3A_658 : vector<16xf32>
    %get3A_660 = arith.constant 12 : i32
    %get3A_661 = arith.index_cast %get3A_660 : i32 to index
    %get3A_662 = arith.constant 48 : index
    %get3A_663 = tpu.vector_load %arg7[%get3A_661, %get3A_662] {strides = array<i32>} : memref<16x128xf32, #tpu.memory_space<vmem>>, vector<16xf32>,
    %add3A_664 = arith.addf %add3A_659, %get3A_663 : vector<16xf32>
    %get3A_665 = arith.constant 13 : i32
    %get3A_666 = arith.index_cast %get3A_665 : i32 to index
    %get3A_667 = arith.constant 48 : index
    %get3A_668 = tpu.vector_load %arg7[%get3A_666, %get3A_667] {strides = array<i32>} : memref<16x128xf32, #tpu.memory_space<vmem>>, vector<16xf32>,
    %add3A_669 = arith.addf %add3A_664, %get3A_668 : vector<16xf32>
    %get3A_670 = arith.constant 14 : i32
    %get3A_671 = arith.index_cast %get3A_670 : i32 to index
    %get3A_672 = arith.constant 48 : index
    %get3A_673 = tpu.vector_load %arg7[%get3A_671, %get3A_672] {strides = array<i32>} : memref<16x128xf32, #tpu.memory_space<vmem>>, vector<16xf32>,
    %add3A_674 = arith.addf %add3A_669, %get3A_673 : vector<16xf32>
    %get3A_675 = arith.constant 15 : i32
    %get3A_676 = arith.index_cast %get3A_675 : i32 to index
    %get3A_677 = arith.constant 48 : index
    %get3A_678 = tpu.vector_load %arg7[%get3A_676, %get3A_677] {strides = array<i32>} : memref<16x128xf32, #tpu.memory_space<vmem>>, vector<16xf32>,
    %add3A_679 = arith.addf %add3A_674, %get3A_678 : vector<16xf32>
    %swap3A_680 = arith.constant 48 : index
    %swap3A_681 = tpu.vector_load %arg6[%swap3A_680] {strides = array<i32>} : memref<128xf32, #tpu.memory_space<vmem>>, vector<16xf32>,
    tpu.vector_store %arg6[%swap3A_680], %add3A_679 {strides = array<i32>} : memref<128xf32, #tpu.memory_space<vmem>>, vector<16xf32>,
    %get3A_682 = arith.constant 0 : i32
    %get3A_683 = arith.index_cast %get3A_682 : i32 to index
    %get3A_684 = arith.constant 64 : index
    %get3A_685 = tpu.vector_load %arg7[%get3A_683, %get3A_684] {strides = array<i32>} : memref<16x128xf32, #tpu.memory_space<vmem>>, vector<16xf32>,
    %get3A_686 = arith.constant 1 : i32
    %get3A_687 = arith.index_cast %get3A_686 : i32 to index
    %get3A_688 = arith.constant 64 : index
    %get3A_689 = tpu.vector_load %arg7[%get3A_687, %get3A_688] {strides = array<i32>} : memref<16x128xf32, #tpu.memory_space<vmem>>, vector<16xf32>,
    %add3A_690 = arith.addf %get3A_685, %get3A_689 : vector<16xf32>
    %get3A_691 = arith.constant 2 : i32
    %get3A_692 = arith.index_cast %get3A_691 : i32 to index
    %get3A_693 = arith.constant 64 : index
    %get3A_694 = tpu.vector_load %arg7[%get3A_692, %get3A_693] {strides = array<i32>} : memref<16x128xf32, #tpu.memory_space<vmem>>, vector<16xf32>,
    %add3A_695 = arith.addf %add3A_690, %get3A_694 : vector<16xf32>
    %get3A_696 = arith.constant 3 : i32
    %get3A_697 = arith.index_cast %get3A_696 : i32 to index
    %get3A_698 = arith.constant 64 : index
    %get3A_699 = tpu.vector_load %arg7[%get3A_697, %get3A_698] {strides = array<i32>} : memref<16x128xf32, #tpu.memory_space<vmem>>, vector<16xf32>,
    %add3A_700 = arith.addf %add3A_695, %get3A_699 : vector<16xf32>
    %get3A_701 = arith.constant 4 : i32
    %get3A_702 = arith.index_cast %get3A_701 : i32 to index
    %get3A_703 = arith.constant 64 : index
    %get3A_704 = tpu.vector_load %arg7[%get3A_702, %get3A_703] {strides = array<i32>} : memref<16x128xf32, #tpu.memory_space<vmem>>, vector<16xf32>,
    %add3A_705 = arith.addf %add3A_700, %get3A_704 : vector<16xf32>
    %get3A_706 = arith.constant 5 : i32
    %get3A_707 = arith.index_cast %get3A_706 : i32 to index
    %get3A_708 = arith.constant 64 : index
    %get3A_709 = tpu.vector_load %arg7[%get3A_707, %get3A_708] {strides = array<i32>} : memref<16x128xf32, #tpu.memory_space<vmem>>, vector<16xf32>,
    %add3A_710 = arith.addf %add3A_705, %get3A_709 : vector<16xf32>
    %get3A_711 = arith.constant 6 : i32
    %get3A_712 = arith.index_cast %get3A_711 : i32 to index
    %get3A_713 = arith.constant 64 : index
    %get3A_714 = tpu.vector_load %arg7[%get3A_712, %get3A_713] {strides = array<i32>} : memref<16x128xf32, #tpu.memory_space<vmem>>, vector<16xf32>,
    %add3A_715 = arith.addf %add3A_710, %get3A_714 : vector<16xf32>
    %get3A_716 = arith.constant 7 : i32
    %get3A_717 = arith.index_cast %get3A_716 : i32 to index
    %get3A_718 = arith.constant 64 : index
    %get3A_719 = tpu.vector_load %arg7[%get3A_717, %get3A_718] {strides = array<i32>} : memref<16x128xf32, #tpu.memory_space<vmem>>, vector<16xf32>,
    %add3A_720 = arith.addf %add3A_715, %get3A_719 : vector<16xf32>
    %get3A_721 = arith.constant 8 : i32
    %get3A_722 = arith.index_cast %get3A_721 : i32 to index
    %get3A_723 = arith.constant 64 : index
    %get3A_724 = tpu.vector_load %arg7[%get3A_722, %get3A_723] {strides = array<i32>} : memref<16x128xf32, #tpu.memory_space<vmem>>, vector<16xf32>,
    %add3A_725 = arith.addf %add3A_720, %get3A_724 : vector<16xf32>
    %get3A_726 = arith.constant 9 : i32
    %get3A_727 = arith.index_cast %get3A_726 : i32 to index
    %get3A_728 = arith.constant 64 : index
    %get3A_729 = tpu.vector_load %arg7[%get3A_727, %get3A_728] {strides = array<i32>} : memref<16x128xf32, #tpu.memory_space<vmem>>, vector<16xf32>,
    %add3A_730 = arith.addf %add3A_725, %get3A_729 : vector<16xf32>
    %get3A_731 = arith.constant 10 : i32
    %get3A_732 = arith.index_cast %get3A_731 : i32 to index
    %get3A_733 = arith.constant 64 : index
    %get3A_734 = tpu.vector_load %arg7[%get3A_732, %get3A_733] {strides = array<i32>} : memref<16x128xf32, #tpu.memory_space<vmem>>, vector<16xf32>,
    %add3A_735 = arith.addf %add3A_730, %get3A_734 : vector<16xf32>
    %get3A_736 = arith.constant 11 : i32
    %get3A_737 = arith.index_cast %get3A_736 : i32 to index
    %get3A_738 = arith.constant 64 : index
    %get3A_739 = tpu.vector_load %arg7[%get3A_737, %get3A_738] {strides = array<i32>} : memref<16x128xf32, #tpu.memory_space<vmem>>, vector<16xf32>,
    %add3A_740 = arith.addf %add3A_735, %get3A_739 : vector<16xf32>
    %get3A_741 = arith.constant 12 : i32
    %get3A_742 = arith.index_cast %get3A_741 : i32 to index
    %get3A_743 = arith.constant 64 : index
    %get3A_744 = tpu.vector_load %arg7[%get3A_742, %get3A_743] {strides = array<i32>} : memref<16x128xf32, #tpu.memory_space<vmem>>, vector<16xf32>,
    %add3A_745 = arith.addf %add3A_740, %get3A_744 : vector<16xf32>
    %get3A_746 = arith.constant 13 : i32
    %get3A_747 = arith.index_cast %get3A_746 : i32 to index
    %get3A_748 = arith.constant 64 : index
    %get3A_749 = tpu.vector_load %arg7[%get3A_747, %get3A_748] {strides = array<i32>} : memref<16x128xf32, #tpu.memory_space<vmem>>, vector<16xf32>,
    %add3A_750 = arith.addf %add3A_745, %get3A_749 : vector<16xf32>
    %get3A_751 = arith.constant 14 : i32
    %get3A_752 = arith.index_cast %get3A_751 : i32 to index
    %get3A_753 = arith.constant 64 : index
    %get3A_754 = tpu.vector_load %arg7[%get3A_752, %get3A_753] {strides = array<i32>} : memref<16x128xf32, #tpu.memory_space<vmem>>, vector<16xf32>,
    %add3A_755 = arith.addf %add3A_750, %get3A_754 : vector<16xf32>
    %get3A_756 = arith.constant 15 : i32
    %get3A_757 = arith.index_cast %get3A_756 : i32 to index
    %get3A_758 = arith.constant 64 : index
    %get3A_759 = tpu.vector_load %arg7[%get3A_757, %get3A_758] {strides = array<i32>} : memref<16x128xf32, #tpu.memory_space<vmem>>, vector<16xf32>,
    %add3A_760 = arith.addf %add3A_755, %get3A_759 : vector<16xf32>
    %swap3A_761 = arith.constant 64 : index
    %swap3A_762 = tpu.vector_load %arg6[%swap3A_761] {strides = array<i32>} : memref<128xf32, #tpu.memory_space<vmem>>, vector<16xf32>,
    tpu.vector_store %arg6[%swap3A_761], %add3A_760 {strides = array<i32>} : memref<128xf32, #tpu.memory_space<vmem>>, vector<16xf32>,
    %get3A_763 = arith.constant 0 : i32
    %get3A_764 = arith.index_cast %get3A_763 : i32 to index
    %get3A_765 = arith.constant 80 : index
    %get3A_766 = tpu.vector_load %arg7[%get3A_764, %get3A_765] {strides = array<i32>} : memref<16x128xf32, #tpu.memory_space<vmem>>, vector<16xf32>,
    %get3A_767 = arith.constant 1 : i32
    %get3A_768 = arith.index_cast %get3A_767 : i32 to index
    %get3A_769 = arith.constant 80 : index
    %get3A_770 = tpu.vector_load %arg7[%get3A_768, %get3A_769] {strides = array<i32>} : memref<16x128xf32, #tpu.memory_space<vmem>>, vector<16xf32>,
    %add3A_771 = arith.addf %get3A_766, %get3A_770 : vector<16xf32>
    %get3A_772 = arith.constant 2 : i32
    %get3A_773 = arith.index_cast %get3A_772 : i32 to index
    %get3A_774 = arith.constant 80 : index
    %get3A_775 = tpu.vector_load %arg7[%get3A_773, %get3A_774] {strides = array<i32>} : memref<16x128xf32, #tpu.memory_space<vmem>>, vector<16xf32>,
    %add3A_776 = arith.addf %add3A_771, %get3A_775 : vector<16xf32>
    %get3A_777 = arith.constant 3 : i32
    %get3A_778 = arith.index_cast %get3A_777 : i32 to index
    %get3A_779 = arith.constant 80 : index
    %get3A_780 = tpu.vector_load %arg7[%get3A_778, %get3A_779] {strides = array<i32>} : memref<16x128xf32, #tpu.memory_space<vmem>>, vector<16xf32>,
    %add3A_781 = arith.addf %add3A_776, %get3A_780 : vector<16xf32>
    %get3A_782 = arith.constant 4 : i32
    %get3A_783 = arith.index_cast %get3A_782 : i32 to index
    %get3A_784 = arith.constant 80 : index
    %get3A_785 = tpu.vector_load %arg7[%get3A_783, %get3A_784] {strides = array<i32>} : memref<16x128xf32, #tpu.memory_space<vmem>>, vector<16xf32>,
    %add3A_786 = arith.addf %add3A_781, %get3A_785 : vector<16xf32>
    %get3A_787 = arith.constant 5 : i32
    %get3A_788 = arith.index_cast %get3A_787 : i32 to index
    %get3A_789 = arith.constant 80 : index
    %get3A_790 = tpu.vector_load %arg7[%get3A_788, %get3A_789] {strides = array<i32>} : memref<16x128xf32, #tpu.memory_space<vmem>>, vector<16xf32>,
    %add3A_791 = arith.addf %add3A_786, %get3A_790 : vector<16xf32>
    %get3A_792 = arith.constant 6 : i32
    %get3A_793 = arith.index_cast %get3A_792 : i32 to index
    %get3A_794 = arith.constant 80 : index
    %get3A_795 = tpu.vector_load %arg7[%get3A_793, %get3A_794] {strides = array<i32>} : memref<16x128xf32, #tpu.memory_space<vmem>>, vector<16xf32>,
    %add3A_796 = arith.addf %add3A_791, %get3A_795 : vector<16xf32>
    %get3A_797 = arith.constant 7 : i32
    %get3A_798 = arith.index_cast %get3A_797 : i32 to index
    %get3A_799 = arith.constant 80 : index
    %get3A_800 = tpu.vector_load %arg7[%get3A_798, %get3A_799] {strides = array<i32>} : memref<16x128xf32, #tpu.memory_space<vmem>>, vector<16xf32>,
    %add3A_801 = arith.addf %add3A_796, %get3A_800 : vector<16xf32>
    %get3A_802 = arith.constant 8 : i32
    %get3A_803 = arith.index_cast %get3A_802 : i32 to index
    %get3A_804 = arith.constant 80 : index
    %get3A_805 = tpu.vector_load %arg7[%get3A_803, %get3A_804] {strides = array<i32>} : memref<16x128xf32, #tpu.memory_space<vmem>>, vector<16xf32>,
    %add3A_806 = arith.addf %add3A_801, %get3A_805 : vector<16xf32>
    %get3A_807 = arith.constant 9 : i32
    %get3A_808 = arith.index_cast %get3A_807 : i32 to index
    %get3A_809 = arith.constant 80 : index
    %get3A_810 = tpu.vector_load %arg7[%get3A_808, %get3A_809] {strides = array<i32>} : memref<16x128xf32, #tpu.memory_space<vmem>>, vector<16xf32>,
    %add3A_811 = arith.addf %add3A_806, %get3A_810 : vector<16xf32>
    %get3A_812 = arith.constant 10 : i32
    %get3A_813 = arith.index_cast %get3A_812 : i32 to index
    %get3A_814 = arith.constant 80 : index
    %get3A_815 = tpu.vector_load %arg7[%get3A_813, %get3A_814] {strides = array<i32>} : memref<16x128xf32, #tpu.memory_space<vmem>>, vector<16xf32>,
    %add3A_816 = arith.addf %add3A_811, %get3A_815 : vector<16xf32>
    %get3A_817 = arith.constant 11 : i32
    %get3A_818 = arith.index_cast %get3A_817 : i32 to index
    %get3A_819 = arith.constant 80 : index
    %get3A_820 = tpu.vector_load %arg7[%get3A_818, %get3A_819] {strides = array<i32>} : memref<16x128xf32, #tpu.memory_space<vmem>>, vector<16xf32>,
    %add3A_821 = arith.addf %add3A_816, %get3A_820 : vector<16xf32>
    %get3A_822 = arith.constant 12 : i32
    %get3A_823 = arith.index_cast %get3A_822 : i32 to index
    %get3A_824 = arith.constant 80 : index
    %get3A_825 = tpu.vector_load %arg7[%get3A_823, %get3A_824] {strides = array<i32>} : memref<16x128xf32, #tpu.memory_space<vmem>>, vector<16xf32>,
    %add3A_826 = arith.addf %add3A_821, %get3A_825 : vector<16xf32>
    %get3A_827 = arith.constant 13 : i32
    %get3A_828 = arith.index_cast %get3A_827 : i32 to index
    %get3A_829 = arith.constant 80 : index
    %get3A_830 = tpu.vector_load %arg7[%get3A_828, %get3A_829] {strides = array<i32>} : memref<16x128xf32, #tpu.memory_space<vmem>>, vector<16xf32>,
    %add3A_831 = arith.addf %add3A_826, %get3A_830 : vector<16xf32>
    %get3A_832 = arith.constant 14 : i32
    %get3A_833 = arith.index_cast %get3A_832 : i32 to index
    %get3A_834 = arith.constant 80 : index
    %get3A_835 = tpu.vector_load %arg7[%get3A_833, %get3A_834] {strides = array<i32>} : memref<16x128xf32, #tpu.memory_space<vmem>>, vector<16xf32>,
    %add3A_836 = arith.addf %add3A_831, %get3A_835 : vector<16xf32>
    %get3A_837 = arith.constant 15 : i32
    %get3A_838 = arith.index_cast %get3A_837 : i32 to index
    %get3A_839 = arith.constant 80 : index
    %get3A_840 = tpu.vector_load %arg7[%get3A_838, %get3A_839] {strides = array<i32>} : memref<16x128xf32, #tpu.memory_space<vmem>>, vector<16xf32>,
    %add3A_841 = arith.addf %add3A_836, %get3A_840 : vector<16xf32>
    %swap3A_842 = arith.constant 80 : index
    %swap3A_843 = tpu.vector_load %arg6[%swap3A_842] {strides = array<i32>} : memref<128xf32, #tpu.memory_space<vmem>>, vector<16xf32>,
    tpu.vector_store %arg6[%swap3A_842], %add3A_841 {strides = array<i32>} : memref<128xf32, #tpu.memory_space<vmem>>, vector<16xf32>,
    %get3A_844 = arith.constant 0 : i32
    %get3A_845 = arith.index_cast %get3A_844 : i32 to index
    %get3A_846 = arith.constant 96 : index
    %get3A_847 = tpu.vector_load %arg7[%get3A_845, %get3A_846] {strides = array<i32>} : memref<16x128xf32, #tpu.memory_space<vmem>>, vector<16xf32>,
    %get3A_848 = arith.constant 1 : i32
    %get3A_849 = arith.index_cast %get3A_848 : i32 to index
    %get3A_850 = arith.constant 96 : index
    %get3A_851 = tpu.vector_load %arg7[%get3A_849, %get3A_850] {strides = array<i32>} : memref<16x128xf32, #tpu.memory_space<vmem>>, vector<16xf32>,
    %add3A_852 = arith.addf %get3A_847, %get3A_851 : vector<16xf32>
    %get3A_853 = arith.constant 2 : i32
    %get3A_854 = arith.index_cast %get3A_853 : i32 to index
    %get3A_855 = arith.constant 96 : index
    %get3A_856 = tpu.vector_load %arg7[%get3A_854, %get3A_855] {strides = array<i32>} : memref<16x128xf32, #tpu.memory_space<vmem>>, vector<16xf32>,
    %add3A_857 = arith.addf %add3A_852, %get3A_856 : vector<16xf32>
    %get3A_858 = arith.constant 3 : i32
    %get3A_859 = arith.index_cast %get3A_858 : i32 to index
    %get3A_860 = arith.constant 96 : index
    %get3A_861 = tpu.vector_load %arg7[%get3A_859, %get3A_860] {strides = array<i32>} : memref<16x128xf32, #tpu.memory_space<vmem>>, vector<16xf32>,
    %add3A_862 = arith.addf %add3A_857, %get3A_861 : vector<16xf32>
    %get3A_863 = arith.constant 4 : i32
    %get3A_864 = arith.index_cast %get3A_863 : i32 to index
    %get3A_865 = arith.constant 96 : index
    %get3A_866 = tpu.vector_load %arg7[%get3A_864, %get3A_865] {strides = array<i32>} : memref<16x128xf32, #tpu.memory_space<vmem>>, vector<16xf32>,
    %add3A_867 = arith.addf %add3A_862, %get3A_866 : vector<16xf32>
    %get3A_868 = arith.constant 5 : i32
    %get3A_869 = arith.index_cast %get3A_868 : i32 to index
    %get3A_870 = arith.constant 96 : index
    %get3A_871 = tpu.vector_load %arg7[%get3A_869, %get3A_870] {strides = array<i32>} : memref<16x128xf32, #tpu.memory_space<vmem>>, vector<16xf32>,
    %add3A_872 = arith.addf %add3A_867, %get3A_871 : vector<16xf32>
    %get3A_873 = arith.constant 6 : i32
    %get3A_874 = arith.index_cast %get3A_873 : i32 to index
    %get3A_875 = arith.constant 96 : index
    %get3A_876 = tpu.vector_load %arg7[%get3A_874, %get3A_875] {strides = array<i32>} : memref<16x128xf32, #tpu.memory_space<vmem>>, vector<16xf32>,
    %add3A_877 = arith.addf %add3A_872, %get3A_876 : vector<16xf32>
    %get3A_878 = arith.constant 7 : i32
    %get3A_879 = arith.index_cast %get3A_878 : i32 to index
    %get3A_880 = arith.constant 96 : index
    %get3A_881 = tpu.vector_load %arg7[%get3A_879, %get3A_880] {strides = array<i32>} : memref<16x128xf32, #tpu.memory_space<vmem>>, vector<16xf32>,
    %add3A_882 = arith.addf %add3A_877, %get3A_881 : vector<16xf32>
    %get3A_883 = arith.constant 8 : i32
    %get3A_884 = arith.index_cast %get3A_883 : i32 to index
    %get3A_885 = arith.constant 96 : index
    %get3A_886 = tpu.vector_load %arg7[%get3A_884, %get3A_885] {strides = array<i32>} : memref<16x128xf32, #tpu.memory_space<vmem>>, vector<16xf32>,
    %add3A_887 = arith.addf %add3A_882, %get3A_886 : vector<16xf32>
    %get3A_888 = arith.constant 9 : i32
    %get3A_889 = arith.index_cast %get3A_888 : i32 to index
    %get3A_890 = arith.constant 96 : index
    %get3A_891 = tpu.vector_load %arg7[%get3A_889, %get3A_890] {strides = array<i32>} : memref<16x128xf32, #tpu.memory_space<vmem>>, vector<16xf32>,
    %add3A_892 = arith.addf %add3A_887, %get3A_891 : vector<16xf32>
    %get3A_893 = arith.constant 10 : i32
    %get3A_894 = arith.index_cast %get3A_893 : i32 to index
    %get3A_895 = arith.constant 96 : index
    %get3A_896 = tpu.vector_load %arg7[%get3A_894, %get3A_895] {strides = array<i32>} : memref<16x128xf32, #tpu.memory_space<vmem>>, vector<16xf32>,
    %add3A_897 = arith.addf %add3A_892, %get3A_896 : vector<16xf32>
    %get3A_898 = arith.constant 11 : i32
    %get3A_899 = arith.index_cast %get3A_898 : i32 to index
    %get3A_900 = arith.constant 96 : index
    %get3A_901 = tpu.vector_load %arg7[%get3A_899, %get3A_900] {strides = array<i32>} : memref<16x128xf32, #tpu.memory_space<vmem>>, vector<16xf32>,
    %add3A_902 = arith.addf %add3A_897, %get3A_901 : vector<16xf32>
    %get3A_903 = arith.constant 12 : i32
    %get3A_904 = arith.index_cast %get3A_903 : i32 to index
    %get3A_905 = arith.constant 96 : index
    %get3A_906 = tpu.vector_load %arg7[%get3A_904, %get3A_905] {strides = array<i32>} : memref<16x128xf32, #tpu.memory_space<vmem>>, vector<16xf32>,
    %add3A_907 = arith.addf %add3A_902, %get3A_906 : vector<16xf32>
    %get3A_908 = arith.constant 13 : i32
    %get3A_909 = arith.index_cast %get3A_908 : i32 to index
    %get3A_910 = arith.constant 96 : index
    %get3A_911 = tpu.vector_load %arg7[%get3A_909, %get3A_910] {strides = array<i32>} : memref<16x128xf32, #tpu.memory_space<vmem>>, vector<16xf32>,
    %add3A_912 = arith.addf %add3A_907, %get3A_911 : vector<16xf32>
    %get3A_913 = arith.constant 14 : i32
    %get3A_914 = arith.index_cast %get3A_913 : i32 to index
    %get3A_915 = arith.constant 96 : index
    %get3A_916 = tpu.vector_load %arg7[%get3A_914, %get3A_915] {strides = array<i32>} : memref<16x128xf32, #tpu.memory_space<vmem>>, vector<16xf32>,
    %add3A_917 = arith.addf %add3A_912, %get3A_916 : vector<16xf32>
    %get3A_918 = arith.constant 15 : i32
    %get3A_919 = arith.index_cast %get3A_918 : i32 to index
    %get3A_920 = arith.constant 96 : index
    %get3A_921 = tpu.vector_load %arg7[%get3A_919, %get3A_920] {strides = array<i32>} : memref<16x128xf32, #tpu.memory_space<vmem>>, vector<16xf32>,
    %add3A_922 = arith.addf %add3A_917, %get3A_921 : vector<16xf32>
    %swap3A_923 = arith.constant 96 : index
    %swap3A_924 = tpu.vector_load %arg6[%swap3A_923] {strides = array<i32>} : memref<128xf32, #tpu.memory_space<vmem>>, vector<16xf32>,
    tpu.vector_store %arg6[%swap3A_923], %add3A_922 {strides = array<i32>} : memref<128xf32, #tpu.memory_space<vmem>>, vector<16xf32>,
    %get3A_925 = arith.constant 0 : i32
    %get3A_926 = arith.index_cast %get3A_925 : i32 to index
    %get3A_927 = arith.constant 112 : index
    %get3A_928 = tpu.vector_load %arg7[%get3A_926, %get3A_927] {strides = array<i32>} : memref<16x128xf32, #tpu.memory_space<vmem>>, vector<16xf32>,
    %get3A_929 = arith.constant 1 : i32
    %get3A_930 = arith.index_cast %get3A_929 : i32 to index
    %get3A_931 = arith.constant 112 : index
    %get3A_932 = tpu.vector_load %arg7[%get3A_930, %get3A_931] {strides = array<i32>} : memref<16x128xf32, #tpu.memory_space<vmem>>, vector<16xf32>,
    %add3A_933 = arith.addf %get3A_928, %get3A_932 : vector<16xf32>
    %get3A_934 = arith.constant 2 : i32
    %get3A_935 = arith.index_cast %get3A_934 : i32 to index
    %get3A_936 = arith.constant 112 : index
    %get3A_937 = tpu.vector_load %arg7[%get3A_935, %get3A_936] {strides = array<i32>} : memref<16x128xf32, #tpu.memory_space<vmem>>, vector<16xf32>,
    %add3A_938 = arith.addf %add3A_933, %get3A_937 : vector<16xf32>
    %get3A_939 = arith.constant 3 : i32
    %get3A_940 = arith.index_cast %get3A_939 : i32 to index
    %get3A_941 = arith.constant 112 : index
    %get3A_942 = tpu.vector_load %arg7[%get3A_940, %get3A_941] {strides = array<i32>} : memref<16x128xf32, #tpu.memory_space<vmem>>, vector<16xf32>,
    %add3A_943 = arith.addf %add3A_938, %get3A_942 : vector<16xf32>
    %get3A_944 = arith.constant 4 : i32
    %get3A_945 = arith.index_cast %get3A_944 : i32 to index
    %get3A_946 = arith.constant 112 : index
    %get3A_947 = tpu.vector_load %arg7[%get3A_945, %get3A_946] {strides = array<i32>} : memref<16x128xf32, #tpu.memory_space<vmem>>, vector<16xf32>,
    %add3A_948 = arith.addf %add3A_943, %get3A_947 : vector<16xf32>
    %get3A_949 = arith.constant 5 : i32
    %get3A_950 = arith.index_cast %get3A_949 : i32 to index
    %get3A_951 = arith.constant 112 : index
    %get3A_952 = tpu.vector_load %arg7[%get3A_950, %get3A_951] {strides = array<i32>} : memref<16x128xf32, #tpu.memory_space<vmem>>, vector<16xf32>,
    %add3A_953 = arith.addf %add3A_948, %get3A_952 : vector<16xf32>
    %get3A_954 = arith.constant 6 : i32
    %get3A_955 = arith.index_cast %get3A_954 : i32 to index
    %get3A_956 = arith.constant 112 : index
    %get3A_957 = tpu.vector_load %arg7[%get3A_955, %get3A_956] {strides = array<i32>} : memref<16x128xf32, #tpu.memory_space<vmem>>, vector<16xf32>,
    %add3A_958 = arith.addf %add3A_953, %get3A_957 : vector<16xf32>
    %get3A_959 = arith.constant 7 : i32
    %get3A_960 = arith.index_cast %get3A_959 : i32 to index
    %get3A_961 = arith.constant 112 : index
    %get3A_962 = tpu.vector_load %arg7[%get3A_960, %get3A_961] {strides = array<i32>} : memref<16x128xf32, #tpu.memory_space<vmem>>, vector<16xf32>,
    %add3A_963 = arith.addf %add3A_958, %get3A_962 : vector<16xf32>
    %get3A_964 = arith.constant 8 : i32
    %get3A_965 = arith.index_cast %get3A_964 : i32 to index
    %get3A_966 = arith.constant 112 : index
    %get3A_967 = tpu.vector_load %arg7[%get3A_965, %get3A_966] {strides = array<i32>} : memref<16x128xf32, #tpu.memory_space<vmem>>, vector<16xf32>,
    %add3A_968 = arith.addf %add3A_963, %get3A_967 : vector<16xf32>
    %get3A_969 = arith.constant 9 : i32
    %get3A_970 = arith.index_cast %get3A_969 : i32 to index
    %get3A_971 = arith.constant 112 : index
    %get3A_972 = tpu.vector_load %arg7[%get3A_970, %get3A_971] {strides = array<i32>} : memref<16x128xf32, #tpu.memory_space<vmem>>, vector<16xf32>,
    %add3A_973 = arith.addf %add3A_968, %get3A_972 : vector<16xf32>
    %get3A_974 = arith.constant 10 : i32
    %get3A_975 = arith.index_cast %get3A_974 : i32 to index
    %get3A_976 = arith.constant 112 : index
    %get3A_977 = tpu.vector_load %arg7[%get3A_975, %get3A_976] {strides = array<i32>} : memref<16x128xf32, #tpu.memory_space<vmem>>, vector<16xf32>,
    %add3A_978 = arith.addf %add3A_973, %get3A_977 : vector<16xf32>
    %get3A_979 = arith.constant 11 : i32
    %get3A_980 = arith.index_cast %get3A_979 : i32 to index
    %get3A_981 = arith.constant 112 : index
    %get3A_982 = tpu.vector_load %arg7[%get3A_980, %get3A_981] {strides = array<i32>} : memref<16x128xf32, #tpu.memory_space<vmem>>, vector<16xf32>,
    %add3A_983 = arith.addf %add3A_978, %get3A_982 : vector<16xf32>
    %get3A_984 = arith.constant 12 : i32
    %get3A_985 = arith.index_cast %get3A_984 : i32 to index
    %get3A_986 = arith.constant 112 : index
    %get3A_987 = tpu.vector_load %arg7[%get3A_985, %get3A_986] {strides = array<i32>} : memref<16x128xf32, #tpu.memory_space<vmem>>, vector<16xf32>,
    %add3A_988 = arith.addf %add3A_983, %get3A_987 : vector<16xf32>
    %get3A_989 = arith.constant 13 : i32
    %get3A_990 = arith.index_cast %get3A_989 : i32 to index
    %get3A_991 = arith.constant 112 : index
    %get3A_992 = tpu.vector_load %arg7[%get3A_990, %get3A_991] {strides = array<i32>} : memref<16x128xf32, #tpu.memory_space<vmem>>, vector<16xf32>,
    %add3A_993 = arith.addf %add3A_988, %get3A_992 : vector<16xf32>
    %get3A_994 = arith.constant 14 : i32
    %get3A_995 = arith.index_cast %get3A_994 : i32 to index
    %get3A_996 = arith.constant 112 : index
    %get3A_997 = tpu.vector_load %arg7[%get3A_995, %get3A_996] {strides = array<i32>} : memref<16x128xf32, #tpu.memory_space<vmem>>, vector<16xf32>,
    %add3A_998 = arith.addf %add3A_993, %get3A_997 : vector<16xf32>
    %get3A_999 = arith.constant 15 : i32
    %get3A_1000 = arith.index_cast %get3A_999 : i32 to index
    %get3A_1001 = arith.constant 112 : index
    %get3A_1002 = tpu.vector_load %arg7[%get3A_1000, %get3A_1001] {strides = array<i32>} : memref<16x128xf32, #tpu.memory_space<vmem>>, vector<16xf32>,
    %add3A_1003 = arith.addf %add3A_998, %get3A_1002 : vector<16xf32>
    %swap3A_1004 = arith.constant 112 : index
    %swap3A_1005 = tpu.vector_load %arg6[%swap3A_1004] {strides = array<i32>} : memref<128xf32, #tpu.memory_space<vmem>>, vector<16xf32>,
    tpu.vector_store %arg6[%swap3A_1004], %add3A_1003 {strides = array<i32>} : memref<128xf32, #tpu.memory_space<vmem>>, vector<16xf32>,
    "tpu.region"() ({
      %run_scoped3A = tpu.sem_alloc : memref<!tpu.dma_semaphore, #tpu.memory_space<semaphore_mem>>
      %dma_start3A_1006 = arith.constant 0 : i32
      %dma_start3A_1007 = tpu.memref_slice %arg3[%add3A, %dma_start3A_1006] : memref<32x128xf32, #tpu.memory_space<hbm>> -> memref<1x128xf32, #tpu.memory_space<hbm>>
      %dma_start3A_1008 = tpu.memref_squeeze %dma_start3A_1007 : memref<1x128xf32, #tpu.memory_space<hbm>> -> memref<128xf32, #tpu.memory_space<hbm>>
      %dma_start3A_1009 = arith.constant 0 : i32
      %dma_start3A_1010 = tpu.memref_slice %arg3[%add3A, %dma_start3A_1009] : memref<32x128xf32, #tpu.memory_space<hbm>> -> memref<1x128xf32, #tpu.memory_space<hbm>>
      %dma_start3A_1011 = tpu.memref_squeeze %dma_start3A_1010 : memref<1x128xf32, #tpu.memory_space<hbm>> -> memref<128xf32, #tpu.memory_space<hbm>>
      tpu.enqueue_dma source(%arg6 : memref<128xf32, #tpu.memory_space<vmem>>) target(%dma_start3A_1011 : memref<128xf32, #tpu.memory_space<hbm>>) target_semaphore(%run_scoped3A : memref<!tpu.dma_semaphore, #tpu.memory_space<semaphore_mem>>)
      %dma_wait3A_1012 = arith.constant 0 : i32
      %dma_wait3A_1013 = tpu.memref_slice %arg3[%add3A, %dma_wait3A_1012] : memref<32x128xf32, #tpu.memory_space<hbm>> -> memref<1x128xf32, #tpu.memory_space<hbm>>
      %dma_wait3A_1014 = tpu.memref_squeeze %dma_wait3A_1013 : memref<1x128xf32, #tpu.memory_space<hbm>> -> memref<128xf32, #tpu.memory_space<hbm>>
      %dma_wait3A_1015 = arith.constant 0 : i32
      %dma_wait3A_1016 = tpu.memref_slice %arg3[%add3A, %dma_wait3A_1015] : memref<32x128xf32, #tpu.memory_space<hbm>> -> memref<1x128xf32, #tpu.memory_space<hbm>>
      %dma_wait3A_1017 = tpu.memref_squeeze %dma_wait3A_1016 : memref<1x128xf32, #tpu.memory_space<hbm>> -> memref<128xf32, #tpu.memory_space<hbm>>
      tpu.wait_dma2 semaphore(%run_scoped3A : memref<!tpu.dma_semaphore, #tpu.memory_space<semaphore_mem>>) src(%arg6 : memref<128xf32, #tpu.memory_space<vmem>>) dst(%dma_wait3A_1017 : memref<128xf32, #tpu.memory_space<hbm>>)
      tpu.yield
    }) : () -> ()
    return
  }
}

module attributes {stable_mosaic.version = 14 : i64} {
  func.func @_tc_body(%arg0: i32, %arg1: memref<1x2048x128xf32, #tpu.memory_space<vmem>>, %arg2: memref<1x1x2048xf32, #tpu.memory_space<vmem>>, %arg3: memref<128x128xf32, #tpu.memory_space<vmem>>, %arg4: memref<3x128xf32, #tpu.memory_space<vmem>>, %arg5: memref<128x128xf32, #tpu.memory_space<vmem>>, %arg6: memref<1x128xf32, #tpu.memory_space<vmem>>) attributes {dimension_semantics = [#tpu.dimension_semantics<arbitrary>], iteration_bounds = array<i64: 8>, scalar_prefetch = 0 : i64, scratch_operands = 2 : i64, tpu.core_type = #tpu.core_type<tc>, window_params = [{transform_indices = @transform_0, window_bounds = array<i64: 1, 2048, 128>}, {transform_indices = @transform_1, window_bounds = array<i64: 1, 1, 2048>}, {pipeline_mode = #tpu.pipeline_mode<synchronous>, transform_indices = @transform_2, window_bounds = array<i64: 128, 128>}, {pipeline_mode = #tpu.pipeline_mode<synchronous>, transform_indices = @transform_3, window_bounds = array<i64: 3, 128>}]} {
    %eq3A = arith.constant 0 : i32
    %eq3A_0 = arith.cmpi eq, %arg0, %eq3A : i32
    %convert_element_type3A = arith.extui %eq3A_0 : i1 to i32
    %cond3A = arith.constant 0 : i32
    %cond3A_1 = arith.cmpi ne, %convert_element_type3A, %cond3A : i32
    scf.if %cond3A_1 {
      %broadcast_in_dim3A_37 = arith.constant 0.000000e+00 : f32
      %broadcast_in_dim3A_38 = vector.broadcast %broadcast_in_dim3A_37 : f32 to vector<128x128xf32>
      %swap3A_39 = arith.constant 0 : index
      %swap3A_40 = arith.constant 0 : index
      %swap3A_41 = vector.load %arg5[%swap3A_39, %swap3A_40] : memref<128x128xf32, #tpu.memory_space<vmem>>, vector<128x128xf32>
      tpu.vector_store %arg5[%swap3A_39, %swap3A_40], %broadcast_in_dim3A_38 {strides = array<i32>} : memref<128x128xf32, #tpu.memory_space<vmem>>, vector<128x128xf32>,
      %broadcast_in_dim3A_42 = arith.constant 0.000000e+00 : f32
      %broadcast_in_dim3A_43 = vector.broadcast %broadcast_in_dim3A_42 : f32 to vector<1x128xf32>
      %swap3A_44 = arith.constant 0 : index
      %swap3A_45 = arith.constant 0 : index
      %swap3A_46 = vector.load %arg6[%swap3A_44, %swap3A_45] : memref<1x128xf32, #tpu.memory_space<vmem>>, vector<1x128xf32>
      tpu.vector_store %arg6[%swap3A_44, %swap3A_45], %broadcast_in_dim3A_43 {strides = array<i32>} : memref<1x128xf32, #tpu.memory_space<vmem>>, vector<1x128xf32>,
    } else {
    }
    %get3A = arith.constant 0 : index
    %get3A_2 = arith.constant 0 : index
    %get3A_3 = arith.constant 0 : index
    %get3A_4 = vector.load %arg1[%get3A, %get3A_2, %get3A_3] : memref<1x2048x128xf32, #tpu.memory_space<vmem>>, vector<1x2048x128xf32>
    %get3A_5 = vector.shape_cast %get3A_4 : vector<1x2048x128xf32> to vector<2048x128xf32>
    %get3A_6 = arith.constant 0 : index
    %get3A_7 = arith.constant 0 : index
    %get3A_8 = arith.constant 0 : index
    %get3A_9 = vector.load %arg2[%get3A_6, %get3A_7, %get3A_8] : memref<1x1x2048xf32, #tpu.memory_space<vmem>>, vector<1x1x2048xf32>
    %get3A_10 = vector.shape_cast %get3A_9 : vector<1x1x2048xf32> to vector<1x2048xf32>
    %iota3A = tpu.iota {dimensions = array<i32: 1>} : vector<2048x128xi32>
    %reshape3A = vector.shape_cast %get3A_10 : vector<1x2048xf32> to vector<2048x1xf32>
    %convert_element_type3A_11 = arith.fptosi %reshape3A : vector<2048x1xf32> to vector<2048x1xi32>
    %eq3A_12 = vector.broadcast %convert_element_type3A_11 : vector<2048x1xi32> to vector<2048x128xi32>
    %eq3A_13 = arith.cmpi eq, %eq3A_12, %iota3A : vector<2048x128xi32>
    %convert_element_type3A_14 = arith.extui %eq3A_13 : vector<2048x128xi1> to vector<2048x128xi32>
    %convert_element_type3A_15 = arith.sitofp %convert_element_type3A_14 : vector<2048x128xi32> to vector<2048x128xf32>
    %get3A_16 = arith.constant 0 : index
    %get3A_17 = arith.constant 0 : index
    %get3A_18 = vector.load %arg5[%get3A_16, %get3A_17] : memref<128x128xf32, #tpu.memory_space<vmem>>, vector<128x128xf32>
    %dot_general3A = arith.constant dense<0.000000e+00> : vector<128x128xf32>
    %dot_general3A_19 = tpu.matmul %convert_element_type3A_15, %get3A_5, %dot_general3A {dimension_numbers = #tpu.dot_dimension_numbers<[0], [0], [1], [1], [0, 1, 1, 1], [], []>, transpose_lhs_hint = false} : vector<2048x128xf32>, vector<2048x128xf32>, vector<128x128xf32> -> vector<128x128xf32>
    %add3A = arith.addf %get3A_18, %dot_general3A_19 : vector<128x128xf32>
    %swap3A = arith.constant 0 : index
    %swap3A_20 = arith.constant 0 : index
    %swap3A_21 = vector.load %arg5[%swap3A, %swap3A_20] : memref<128x128xf32, #tpu.memory_space<vmem>>, vector<128x128xf32>
    tpu.vector_store %arg5[%swap3A, %swap3A_20], %add3A {strides = array<i32>} : memref<128x128xf32, #tpu.memory_space<vmem>>, vector<128x128xf32>,
    %mul3A = arith.mulf %get3A_5, %get3A_5 : vector<2048x128xf32>
    %reduce_sum3A = arith.constant dense<0.000000e+00> : vector<2048xf32>
    %reduce_sum3A_22 = vector.multi_reduction <add>, %mul3A, %reduce_sum3A [1] : vector<2048x128xf32> to vector<2048xf32>
    %broadcast_in_dim3A = vector.shape_cast %reduce_sum3A_22 : vector<2048xf32> to vector<2048x1xf32>
    %get3A_23 = arith.constant 0 : index
    %get3A_24 = arith.constant 0 : index
    %get3A_25 = vector.load %arg6[%get3A_23, %get3A_24] : memref<1x128xf32, #tpu.memory_space<vmem>>, vector<1x128xf32>
    %dot_general3A_26 = arith.constant dense<0.000000e+00> : vector<1x128xf32>
    %dot_general3A_27 = tpu.matmul %broadcast_in_dim3A, %convert_element_type3A_15, %dot_general3A_26 {dimension_numbers = #tpu.dot_dimension_numbers<[0], [0], [1], [1], [0, 1, 1, 1], [], []>, transpose_lhs_hint = false} : vector<2048x1xf32>, vector<2048x128xf32>, vector<1x128xf32> -> vector<1x128xf32>
    %add3A_28 = arith.addf %get3A_25, %dot_general3A_27 : vector<1x128xf32>
    %swap3A_29 = arith.constant 0 : index
    %swap3A_30 = arith.constant 0 : index
    %swap3A_31 = vector.load %arg6[%swap3A_29, %swap3A_30] : memref<1x128xf32, #tpu.memory_space<vmem>>, vector<1x128xf32>
    tpu.vector_store %arg6[%swap3A_29, %swap3A_30], %add3A_28 {strides = array<i32>} : memref<1x128xf32, #tpu.memory_space<vmem>>, vector<1x128xf32>,
    %eq3A_32 = arith.constant 7 : i32
    %eq3A_33 = arith.cmpi eq, %arg0, %eq3A_32 : i32
    %convert_element_type3A_34 = arith.extui %eq3A_33 : i1 to i32
    %cond3A_35 = arith.constant 0 : i32
    %cond3A_36 = arith.cmpi ne, %convert_element_type3A_34, %cond3A_35 : i32
    scf.if %cond3A_36 {
      %get3A_37 = arith.constant 0 : index
      %get3A_38 = arith.constant 0 : index
      %get3A_39 = vector.load %arg3[%get3A_37, %get3A_38] : memref<128x128xf32, #tpu.memory_space<vmem>>, vector<128x128xf32>
      %get3A_40 = arith.constant 0 : index
      %get3A_41 = arith.constant 0 : index
      %get3A_42 = vector.load %arg6[%get3A_40, %get3A_41] : memref<1x128xf32, #tpu.memory_space<vmem>>, vector<1x128xf32>
      %get3A_43 = vector.shape_cast %get3A_42 : vector<1x128xf32> to vector<128xf32>
      %swap3A_44 = arith.constant 0 : index
      %swap3A_45 = arith.constant 0 : index
      %swap3A_46 = vector.load %arg4[%swap3A_44, %swap3A_45] : memref<3x128xf32, #tpu.memory_space<vmem>>, vector<1x128xf32>
      %swap3A_47 = vector.shape_cast %swap3A_46 : vector<1x128xf32> to vector<128xf32>
      %swap3A_48 = vector.shape_cast %get3A_43 : vector<128xf32> to vector<1x128xf32>
      tpu.vector_store %arg4[%swap3A_44, %swap3A_45], %swap3A_48 {strides = array<i32>} : memref<3x128xf32, #tpu.memory_space<vmem>>, vector<1x128xf32>,
      %get3A_49 = arith.constant 0 : index
      %get3A_50 = arith.constant 0 : index
      %get3A_51 = vector.load %arg5[%get3A_49, %get3A_50] : memref<128x128xf32, #tpu.memory_space<vmem>>, vector<128x128xf32>
      %mul3A_52 = arith.mulf %get3A_51, %get3A_39 : vector<128x128xf32>
      %reduce_sum3A_53 = arith.constant dense<0.000000e+00> : vector<128xf32>
      %reduce_sum3A_54 = vector.multi_reduction <add>, %mul3A_52, %reduce_sum3A_53 [1] : vector<128x128xf32> to vector<128xf32>
      %swap3A_55 = arith.constant 1 : index
      %swap3A_56 = arith.constant 0 : index
      %swap3A_57 = vector.load %arg4[%swap3A_55, %swap3A_56] : memref<3x128xf32, #tpu.memory_space<vmem>>, vector<1x128xf32>
      %swap3A_58 = vector.shape_cast %swap3A_57 : vector<1x128xf32> to vector<128xf32>
      %swap3A_59 = vector.shape_cast %reduce_sum3A_54 : vector<128xf32> to vector<1x128xf32>
      tpu.vector_store %arg4[%swap3A_55, %swap3A_56], %swap3A_59 {strides = array<i32>} : memref<3x128xf32, #tpu.memory_space<vmem>>, vector<1x128xf32>,
      %mul3A_60 = arith.mulf %get3A_39, %get3A_39 : vector<128x128xf32>
      %reduce_sum3A_61 = arith.constant dense<0.000000e+00> : vector<128xf32>
      %reduce_sum3A_62 = vector.multi_reduction <add>, %mul3A_60, %reduce_sum3A_61 [1] : vector<128x128xf32> to vector<128xf32>
      %swap3A_63 = arith.constant 2 : index
      %swap3A_64 = arith.constant 0 : index
      %swap3A_65 = vector.load %arg4[%swap3A_63, %swap3A_64] : memref<3x128xf32, #tpu.memory_space<vmem>>, vector<1x128xf32>
      %swap3A_66 = vector.shape_cast %swap3A_65 : vector<1x128xf32> to vector<128xf32>
      %swap3A_67 = vector.shape_cast %reduce_sum3A_62 : vector<128xf32> to vector<1x128xf32>
      tpu.vector_store %arg4[%swap3A_63, %swap3A_64], %swap3A_67 {strides = array<i32>} : memref<3x128xf32, #tpu.memory_space<vmem>>, vector<1x128xf32>,
    } else {
    }
    return
  }
  func.func @transform_0(%arg0: i32) -> (i32, i32, i32) {
    %c0_i32 = arith.constant 0 : i32
    %c0_i32_0 = arith.constant 0 : i32
    %c0_i32_1 = arith.constant 0 : i32
    return %arg0, %c0_i32, %c0_i32_0 : i32, i32, i32
  }
  func.func @transform_1(%arg0: i32) -> (i32, i32, i32) {
    %c0_i32 = arith.constant 0 : i32
    %c0_i32_0 = arith.constant 0 : i32
    %c0_i32_1 = arith.constant 0 : i32
    return %arg0, %c0_i32, %c0_i32_0 : i32, i32, i32
  }
  func.func @transform_2(%arg0: i32) -> (i32, i32) {
    %c0_i32 = arith.constant 0 : i32
    %c0_i32_0 = arith.constant 0 : i32
    %c0_i32_1 = arith.constant 0 : i32
    return %c0_i32, %c0_i32_0 : i32, i32
  }
  func.func @transform_3(%arg0: i32) -> (i32, i32) {
    %c0_i32 = arith.constant 0 : i32
    %c0_i32_0 = arith.constant 0 : i32
    %c0_i32_1 = arith.constant 0 : i32
    return %c0_i32, %c0_i32_0 : i32, i32
  }
}

</mosaic_0001>

<sc_bundles>
// kernel: kernel.4.cloned.1.call-start
scs
__scs_entry_jumppad:
0x0: {  	(pc) =	sbr.rel $0x88, $3  }
0x1: {  	(tag) =	ssettag $0x0;
	lr =	simm.s32 $0x1  }
0x2: {  	[smem:$0x3F9E] =	sst lr;
	_ =	strace $0xD0000000  }
0x3: {  	_ = 	snop  }
0x4: {  	_ = 	snop  }
0x5: {  	_ = 	snop  }
0x6: {  	_ = 	snop  }
0x7: {  	_ = 	snop  }
__scs_overlays_trampoline_lowered:
0x8: {  	[smem:$0x3FAD] =	sst s0  }
0x9: {  	[smem:$0x3FAE] =	sst s1  }
0xa: {  	[smem:$0x3FAF] =	sst s2  }
0xb: {  	[smem:$0x3FB0] =	sst s3  }
0xc: {  	[smem:$0x3FB1] =	sst s4  }
0xd: {  	[smem:$0x3FB2] =	sst s5  }
0xe: {  	[smem:$0x3FB3] =	sst s6  }
0xf: {  	[smem:$0x3FB4] =	sst s7  }
0x10: {  	[smem:$0x3FB5] =	sst s8  }
0x11: {  	[smem:$0x3FB6] =	sst s9;
	s0 =	simm.s32 @!p0 $0x0  }
0x12: {  	s1 =	sld [smem:$0x3F9C];
	s0 =	simm.s32 @p0 $0x1  }
0x13: {  	[smem:$0x3FB7] =	sst s0;
	s0 =	simm.s32 @!p1 $0x0  }
0x14: {  	s2 =	sld [smem:$0x3F9B];
	s0 =	simm.s32 @p1 $0x1  }
0x15: {  	[smem:$0x3FB8] =	sst s0;
	s0 =	simm.s32 @!p2 $0x0  }
0x16: {  	s3 =	sld [smem:$0x3FDB];
	s0 =	simm.s32 @p2 $0x1  }
0x17: {  	s4 =	simm.s32 $0x1BF5;
	[smem:$0x3FBA] =	sst s0  }
0x18: {  	s0 =	sld [smem:$0x3F9D];
	_ =	swait.ge [sflag:s4], $0x0  }
0x19: {  	s7 =	sld [smem:$0x3F9E]  }
0x1a: {  	s8 =	sadd.s32 $0xFFFFE003, lr  }
0x1b: {  	s9 =	sadd.s32 $0xFFFFFEF7, lr;
	s5 =	simm.s32 $0xFFFFFFFF;
	p2 =	slt.u32 s8, $0xFFFFF086  }
0x1c: {  	p1 =	slt.u32 s9, $0xF7A;
	s5 =	simm.s32 @!p2 $0x0  }
0x1d: {  	s5 =	simm.s32 @p1 $0x1;
	p0 =	seq.s32 s7, s2  }
0x1e: {  	s7 =	smul.u32 @!p0 $0xF7A, s2;
	p2 =	seq.s32 @!p0 s5, $0x0  }
0x1f: {  	s9 =	smul.u32 $0xF7A, s1;
	s8 =	simm.s32 @!p0 $0x1BF5;
	p2 =	por !p2, p0  }
0x20: {  	[sflag:s8] =	ssyncset.s32 @!p0 $0xFFFFF086;
	s6 =	sadd.s32 @!p0 s3, s7;
	s7 =	simm.s32 @!p0 $0x108  }
0x21: {  	s3 =	sadd.s32 s3, s9;
	s6 =	sadd.s32 @!p0 $0x88, s6;
	s7 =	simm.s32 @p2 $0x1082  }
0x22: {  	[simem:s7], [sflag:s8] =	dma.local @!p0 [hbm:s6], $0xF7A  }
0x23: {  	s9 =	sor.u32 $0xD0000000, s2;
	s6 =	simm.s32 $0x108;
	_ =	swait.ge @!p0 [sflag:s8], $0x0  }
0x24: {  	s3 =	sadd.s32 $0x88, s3;
	s6 =	simm.s32 @!p1 $0x1082;
	[sflag:s4] =	ssyncset.s32 $0xFFFFF086  }
0x25: {  	[simem:s6], [sflag:s4] =	dma.local [hbm:s3], $0xF7A  }
0x26: {  	[smem:$0x3F9E] =	sst s1;
	(tag) =	ssettag s2;
	_ =	strace s9  }
0x27: {  	s1 =	sld [smem:$0x3FAE]  }
0x28: {  	s2 =	sld [smem:$0x3FAF]  }
0x29: {  	s4 =	sld [smem:$0x3FB1]  }
0x2a: {  	p0 =	seq.s32 s5, $0x0;
	s5 =	sld [smem:$0x3FB2]  }
0x2b: {  	s6 =	sld [smem:$0x3FB3]  }
0x2c: {  	s7 =	sld [smem:$0x3FB4]  }
0x2d: {  	s3 =	simm.s32 $0x108;
	s8 =	sld [smem:$0x3FB5]  }
0x2e: {  	s3 =	simm.s32 @!p0 $0x1082;
	s9 =	sld [smem:$0x3FB6]  }
0x2f: {  	lr =	sadd.s32 s0, s3;
	s0 =	sld [smem:$0x3FAD]  }
0x30: {  	s3 =	sld [smem:$0x3FB0]  }
0x31: {  	[smem:$0x3FB9] =	sst s10  }
0x32: {  	s10 =	sld [smem:$0x3FB7];
	_ =	sdelay $0x3  }
0x33: {  	p0 =	seq.s32 s10, $0x1;
	s10 =	sld [smem:$0x3FB9];
	_ =	sdelay $0x3  }
0x34: {  	[smem:$0x3FB9] =	sst s10  }
0x35: {  	s10 =	sld [smem:$0x3FB8];
	_ =	sdelay $0x3  }
0x36: {  	p1 =	seq.s32 s10, $0x1;
	s10 =	sld [smem:$0x3FB9];
	_ =	sdelay $0x3  }
0x37: {  	[smem:$0x3FB9] =	sst s10  }
0x38: {  	s10 =	sld [smem:$0x3FBA]  }
0x39: {  	_ = 	snop;
	(pc) =	sbr.ind lr, $3  }
0x3a: {  	_ = 	snop  }
0x3b: {  	_ = 	snop  }
0x3c: {  	p2 =	seq.s32 s10, $0x1;
	s10 =	sld [smem:$0x3FB9]  }
0x3d: {  	_ =	shalt  }
0x3e: {  	_ =	shalt  }
0x3f: {  	_ =	shalt  }
0x40: {  	_ =	shalt  }
0x41: {  	_ =	shalt  }
0x42: {  	_ =	shalt  }
0x43: {  	_ =	shalt  }
0x44: {  	_ =	shalt  }
0x45: {  	_ =	shalt  }
0x46: {  	_ =	shalt  }
0x47: {  	_ =	shalt  }
0x48: {  	_ =	shalt  }
0x49: {  	_ =	shalt  }
0x4a: {  	_ =	shalt  }
0x4b: {  	_ =	shalt  }
0x4c: {  	_ =	shalt  }
0x4d: {  	_ =	shalt  }
0x4e: {  	_ =	shalt  }
0x4f: {  	_ =	shalt  }
0x50: {  	_ =	shalt  }
0x51: {  	_ =	shalt  }
0x52: {  	_ =	shalt  }
0x53: {  	_ =	shalt  }
0x54: {  	_ =	shalt  }
0x55: {  	_ =	shalt  }
0x56: {  	_ =	shalt  }
0x57: {  	_ =	shalt  }
0x58: {  	_ =	shalt  }
0x59: {  	_ =	shalt  }
0x5a: {  	_ =	shalt  }
0x5b: {  	_ =	shalt  }
0x5c: {  	_ =	shalt  }
0x5d: {  	_ =	shalt  }
0x5e: {  	_ =	shalt  }
0x5f: {  	_ =	shalt  }
0x60: {  	_ =	shalt  }
0x61: {  	_ =	shalt  }
0x62: {  	_ =	shalt  }
0x63: {  	_ =	shalt  }
0x64: {  	_ =	shalt  }
0x65: {  	_ =	shalt  }
0x66: {  	_ =	shalt  }
0x67: {  	_ =	shalt  }
0x68: {  	_ =	shalt  }
0x69: {  	_ =	shalt  }
0x6a: {  	_ =	shalt  }
0x6b: {  	_ =	shalt  }
0x6c: {  	_ =	shalt  }
0x6d: {  	_ =	shalt  }
0x6e: {  	_ =	shalt  }
0x6f: {  	_ =	shalt  }
0x70: {  	_ =	shalt  }
0x71: {  	_ =	shalt  }
0x72: {  	_ =	shalt  }
0x73: {  	_ =	shalt  }
0x74: {  	_ =	shalt  }
0x75: {  	_ =	shalt  }
0x76: {  	_ =	shalt  }
0x77: {  	_ =	shalt  }
0x78: {  	_ =	shalt  }
0x79: {  	_ =	shalt  }
0x7a: {  	_ =	shalt  }
0x7b: {  	_ =	shalt  }
0x7c: {  	_ =	shalt  }
0x7d: {  	_ =	shalt  }
0x7e: {  	_ =	shalt  }
0x7f: {  	_ =	shalt  }
0x80: {  	_ =	shalt  }
0x81: {  	_ =	shalt  }
0x82: {  	_ =	shalt  }
0x83: {  	_ =	shalt  }
0x84: {  	_ =	shalt  }
0x85: {  	_ =	shalt  }
0x86: {  	_ =	shalt  }
0x87: {  	_ =	shalt  }
.Lfunc_end0:
.L_simem_size_0:
called_computation_lowered:
.L_overlay_start_0:
0x88: {  	s2 =	sld [smem:$0x3FD9]  }
0x89: {  	s3 =	sld [smem:$0x3FFE];
	_ =	sdelay $0x1  }
0x8a: {  	s1 =	srdreg.scid  }
0x8b: {  	s0 =	sand.u32 $0x1, s1  }
0x8c: {  	s17 =	sshll.u32 s0, $0xA;
	s2 =	sadd.s32 s3, s2  }
0x8d: {  	s2 =	sadd.s32 s2, s17  }
0x8e: {  	[smem:$0x3FC5] =	sst s2  }
0x8f: {  	_ = 	snop  }
0x90: {  	s2 =	sld [smem:$0x3FC8];
	(tm) =	ssettm $0x1  }
0x91: {  	s18 =	sld [smem:$0x3FFB];
	_ =	sdelay $0x3  }
0x92: {  	_ =	strace s18  }
0x93: {  	s3 =	sld [smem:$0x3FFC];
	_ =	sdelay $0x3  }
0x94: {  	_ =	strace s3  }
0x95: {  	s3 =	sld [smem:$0x3FFD];
	_ =	sdelay $0x3  }
0x96: {  	_ =	strace s3  }
0x97: {  	_ =	strace $0x8FFFFFFF  }
0x98: {  	s19 =	sld [smem:$0x3FDB];
	_ =	sdelay $0x1  }
0x99: {  	s4 =	simm.s32 $_scs_section_size  }
0x9a: {  	s5 =	simm.s32 $_size__tile_overlayer_lowered;
	s6 =	simm.s32 $_tile_overlayer_lowered  }
0x9b: {  	s22 =	simm.s32 $0x1BFF;
	s21 =	sshll.u32 s6, $0x1;
	s3 =	sadd.s32 s4, s19  }
0x9c: {  	s7 =	simm.s32 $0x0;
	s20 =	sshll.u32 s5, $0x1;
	s5 =	sadd.s32 s21, s3  }
0x9d: {  	[timem:s7], [sflag:s22] =	dma.local [hbm:s5], s20  }
0x9e: {  	_ =	swait.ge [sflag:s22], s20  }
0x9f: {  	s4 =	ssub.s32 $0x0, s20;
	[sflag:s22] =	ssyncset.done $0x0  }
0xa0: {  	[sflag:s22] =	ssyncadd.s32 s4;
	_ =	sdelay $0x1  }
0xa1: {  	s23 =	simm.s32 $0x1B8B  }
0xa2: {  	_ =	swait.ge [sflag:s23], $0x1  }
0xa3: {  	[sflag:s23] =	ssyncset.done $0x0  }
0xa4: {  	s25 =	simm.s32 $0x1B8E;
	s24 =	sld [smem:$0x3FFE];
	[sflag:s23] =	ssyncadd.s32 $0xFFFFFFFF  }
0xa5: {  	s26 =	simm.s32 $execute0_lowered;
	[smem:$0x3FD2] =	sst s25  }
0xa6: {  	s5 =	sshll.u32 s26, $0x1;
	_ =	strace $0x80000046;
	[dreg:$0x1] =	wrdreg $0xFFFFFFFF  }
0xa7: {  	s28 =	simm.s32 $_size_execute0_lowered;
	s3 =	sadd.s32 s3, s5;
	[dreg:$0x0] =	wrdreg $0x0  }
0xa8: {  	s5 =	sshll.u32 s28, $0x1;
	[dreg:$0x2] =	wrdreg s3  }
0xa9: {  	[dreg:$0x3] =	wrdreg s5  }
0xaa: {  	[dreg:$0x4] =	wrdreg $0xC0  }
0xab: {  	_ =	task [dreg:s7], $0x5FFFF  }
0xac: {  	[dreg:$0x1] =	wrdreg $0xFFFFFFFF  }
0xad: {  	[dreg:$0x0] =	wrdreg $0x60  }
0xae: {  	[dreg:$0x2] =	wrdreg s2  }
0xaf: {  	[dreg:$0x3] =	wrdreg s24  }
0xb0: {  	[dreg:$0x4] =	wrdreg $0x11000  }
0xb1: {  	[dreg:$0x5] =	wrdreg $0x9  }
0xb2: {  	_ =	task.clear_ibuf [dreg:s7], $0x6FFFF;
	_ =	strace $0x90000046  }
0xb3: {  	s29 =	simm.s32 $0x9;
	_ =	strace $0x80000048  }
0xb4: {  	_ =	swait.ge [sflag:s29], $0x1  }
0xb5: {  	[sflag:s29] =	ssyncadd.s32 $0xFFFFFFFF  }
0xb6: {  	_ =	strace $0x90000048  }
0xb7: {  	_ =	sfence  }
0xb8: {  	s30 =	sld [smem:$0x0];
	_ =	sdelay $0x2  }
0xb9: {  	s31 =	sshll.u32 s1, $0xD;
	s1 =	sshrl.u32 s1, $0x2  }
0xba: {  	s3 =	sand.u32 $0x4000, s31;
	s1 =	sadd.s32 s1, s30  }
0xbb: {  	s0 =	sor.u32 s3, s0;
	s1 =	sshll.u32 s1, $0x11  }
0xbc: {  	s0 =	sor.u32 s1, s0  }
0xbd: {  	s0 =	sadd.s32 $0x8F2B, s0  }
0xbe: {  	[sflag:s0] =	ssyncadd.remote.s32 $0x1  }
0xbf: {  	_ =	sfence.sel $0xFFFF  }
0xc0: {  	[dreg:$0x0] =	wrdreg $0xFFFFFFFF;
	(pc) =	sbr.abs _section_cstart, $3  }
0xc1: {  	[dreg:$0x1] =	wrdreg $0xFFFFFFFF  }
0xc2: {  	_ =	task.clear_ibuf [dreg:s7], $0x2FFFF;
	_ =	strace $0x9FFFFFFF  }
0xc3: {  	(tm) =	ssettm $0x7FFFFFFF  }
tec
execute0_lowered:
.L_overlay_start_1:
0x0: {  	(tag) =	ssettag $0x1  }
0x1: {  	s4 =	rddreg [dreg:$0x0]  }
0x2: {  	s5 =	rddreg [dreg:$0x1]  }
0x3: {  	s1 =	rddreg [dreg:$0x2]  }
0x4: {  	s3 =	srdreg.scid;
	s0 =	rddreg [dreg:$0x3];
	s2 =	simm.s32 $0x0  }
0x5: {  	s10 =	simm.s32 $0x880;
	s11 =	simm.s32 $0x2;
	s12 =	simm.s32 $0x900  }
0x6: {  	s13 =	simm.s32 $0x0;
	s6 =	sand.u32 $0x1, s3;
	[smem:$0x7FF] =	sst s2  }
0x7: {  	s3 =	stileid.u32;
	s7 =	ssub.s32 $0x2, s6;
	_ =	strace $0x80000047  }
0x8: {  	s31 =	sshll.u32 s3, $0x7;
	s6 =	sshll.u32 s6, $0x4;
	s9 =	sshll.u32 s3, $0x5  }
0x9: {  	s8 =	sshrl.u32 s7, $0x1;
	s4 =	sadd.s32 s4, s31;
	s6 =	sadd.s32 s5, s6  }
0xa: {  	s5 =	sadd.s32 s31, s1;
	s7 =	ssub.s32 s7, s8;
	s6 =	sadd.s32 s9, s6  }
0xb: {  	s8 =	simm.s32 $0x480;
	s9 =	simm.s32 $0x1;
	s7 =	smax.u32 s7, $0x1  }
.LBB2_1:
0xc: {  	[tilespmem:s8], [sflag:$0x1] =	stream.linear.gather [hbm4b:s4+s2], $0x400, $0x38;
	v0 =	vimm.f32 $0.0e+00;
	[tilespmem:$0x1180] =	vst v63  }
0xd: {  	[tilespmem:$0x880] =	vst v0  }
0xe: {  	[tilespmem:$0x890] =	vst v0  }
0xf: {  	[tilespmem:$0x8A0] =	vst v0  }
0x10: {  	[tilespmem:$0x8B0] =	vst v0  }
0x11: {  	[tilespmem:$0x8C0] =	vst v0  }
0x12: {  	[tilespmem:$0x8D0] =	vst v0  }
0x13: {  	[tilespmem:$0x8E0] =	vst v0  }
0x14: {  	[tilespmem:$0x8F0] =	vst v0  }
0x15: {  	_ =	swait.ge [sflag:s9], $0x400  }
0x16: {  	[sflag:s9] =	ssyncset.done $0x0  }
0x17: {  	[sflag:s9] =	ssyncadd.s32 $0xFFFFFC00  }
0x18: {  	v1 =	vld [tilespmem:$0x480]  }
0x19: {  	v2 =	vld [tilespmem:$0x490]  }
0x1a: {  	v3 =	vld [tilespmem:$0x4A0]  }
0x1b: {  	v4 =	vld [tilespmem:$0x4B0]  }
0x1c: {  	v5 =	vld [tilespmem:$0x4C0]  }
0x1d: {  	v6 =	vld [tilespmem:$0x4D0]  }
0x1e: {  	v7 =	vld [tilespmem:$0x4E0]  }
0x1f: {  	v8 =	vld [tilespmem:$0x4F0]  }
0x20: {  	v45 =	vld [tilespmem:$0x500];
	v1 =	vtrunc.f32 v1;
	v2 =	vtrunc.f32 v2  }
0x21: {  	v48 =	vld [tilespmem:$0x510];
	v3 =	vtrunc.f32 v3;
	v44 =	vtrunc.f32 v4  }
0x22: {  	v51 =	vld [tilespmem:$0x520];
	v47 =	vtrunc.f32 v5;
	v50 =	vtrunc.f32 v6  }
0x23: {  	v54 =	vld [tilespmem:$0x530];
	v53 =	vtrunc.f32 v7;
	v1 =	vcvt.f32.s32 v1  }
0x24: {  	v57 =	vld [tilespmem:$0x540];
	v56 =	vtrunc.f32 v8;
	v2 =	vcvt.f32.s32 v2  }
0x25: {  	v60 =	vld [tilespmem:$0x550];
	v59 =	vtrunc.f32 v45;
	v43 =	vcvt.f32.s32 v3;
	[tilespmem:$0x0] =	vst v1  }
0x26: {  	v63 =	vld [tilespmem:$0x560];
	v62 =	vtrunc.f32 v48;
	v46 =	vcvt.f32.s32 v44;
	[tilespmem:$0x10] =	vst v2  }
0x27: {  	v13 =	vld [tilespmem:$0x570];
	v12 =	vtrunc.f32 v51;
	v49 =	vcvt.f32.s32 v47;
	[tilespmem:$0x20] =	vst v43  }
0x28: {  	v16 =	vld [tilespmem:$0x580];
	v15 =	vtrunc.f32 v54;
	v52 =	vcvt.f32.s32 v50;
	[tilespmem:$0x30] =	vst v46  }
0x29: {  	v19 =	vld [tilespmem:$0x590];
	v18 =	vtrunc.f32 v57;
	v55 =	vcvt.f32.s32 v53;
	[tilespmem:$0x40] =	vst v49  }
0x2a: {  	v22 =	vld [tilespmem:$0x5A0];
	v21 =	vtrunc.f32 v60;
	v58 =	vcvt.f32.s32 v56;
	[tilespmem:$0x50] =	vst v52  }
0x2b: {  	v25 =	vld [tilespmem:$0x5B0];
	v24 =	vtrunc.f32 v63;
	v61 =	vcvt.f32.s32 v59;
	[tilespmem:$0x60] =	vst v55  }
0x2c: {  	v28 =	vld [tilespmem:$0x5C0];
	v27 =	vtrunc.f32 v13;
	v11 =	vcvt.f32.s32 v62;
	[tilespmem:$0x70] =	vst v58  }
0x2d: {  	v31 =	vld [tilespmem:$0x5D0];
	v30 =	vtrunc.f32 v16;
	v14 =	vcvt.f32.s32 v12;
	[tilespmem:$0x80] =	vst v61  }
0x2e: {  	v34 =	vld [tilespmem:$0x5E0];
	v33 =	vtrunc.f32 v19;
	v17 =	vcvt.f32.s32 v15;
	[tilespmem:$0x90] =	vst v11  }
0x2f: {  	v37 =	vld [tilespmem:$0x5F0];
	v36 =	vtrunc.f32 v22;
	v20 =	vcvt.f32.s32 v18;
	[tilespmem:$0xA0] =	vst v14  }
0x30: {  	v40 =	vld [tilespmem:$0x600];
	v39 =	vtrunc.f32 v25;
	v23 =	vcvt.f32.s32 v21;
	[tilespmem:$0xB0] =	vst v17  }
0x31: {  	v42 =	vtrunc.f32 v28;
	v26 =	vcvt.f32.s32 v24;
	v12 =	vld [tilespmem:$0x680];
	[tilespmem:$0xC0] =	vst v20  }
0x32: {  	v45 =	vtrunc.f32 v31;
	v29 =	vcvt.f32.s32 v27;
	v15 =	vld [tilespmem:$0x690];
	[tilespmem:$0xD0] =	vst v23  }
0x33: {  	v48 =	vtrunc.f32 v34;
	v32 =	vcvt.f32.s32 v30;
	v18 =	vld [tilespmem:$0x6A0];
	[tilespmem:$0xE0] =	vst v26  }
0x34: {  	v51 =	vtrunc.f32 v37;
	v35 =	vcvt.f32.s32 v33;
	v21 =	vld [tilespmem:$0x6B0];
	[tilespmem:$0xF0] =	vst v29  }
0x35: {  	v54 =	vtrunc.f32 v40;
	v38 =	vcvt.f32.s32 v36;
	v24 =	vld [tilespmem:$0x6C0];
	[tilespmem:$0x100] =	vst v32  }
0x36: {  	v41 =	vcvt.f32.s32 v39;
	v44 =	vcvt.f32.s32 v42;
	v27 =	vld [tilespmem:$0x6D0];
	[tilespmem:$0x110] =	vst v35  }
0x37: {  	v47 =	vcvt.f32.s32 v45;
	v50 =	vcvt.f32.s32 v48;
	v30 =	vld [tilespmem:$0x6E0];
	[tilespmem:$0x120] =	vst v38  }
0x38: {  	v53 =	vcvt.f32.s32 v51;
	v56 =	vcvt.f32.s32 v54;
	v33 =	vld [tilespmem:$0x6F0];
	[tilespmem:$0x130] =	vst v41  }
0x39: {  	v36 =	vld [tilespmem:$0x700];
	[tilespmem:$0x140] =	vst v44;
	v26 =	vtrunc.f32 v12;
	v29 =	vtrunc.f32 v15  }
0x3a: {  	v39 =	vld [tilespmem:$0x710];
	[tilespmem:$0x150] =	vst v47;
	v32 =	vtrunc.f32 v18;
	v35 =	vtrunc.f32 v21  }
0x3b: {  	v42 =	vld [tilespmem:$0x720];
	[tilespmem:$0x160] =	vst v50;
	v38 =	vtrunc.f32 v24;
	v41 =	vtrunc.f32 v27  }
0x3c: {  	v43 =	vld [tilespmem:$0x610];
	[tilespmem:$0x170] =	vst v53;
	v44 =	vtrunc.f32 v30;
	v28 =	vcvt.f32.s32 v26  }
0x3d: {  	v46 =	vld [tilespmem:$0x620];
	[tilespmem:$0x180] =	vst v56;
	v47 =	vtrunc.f32 v33;
	v31 =	vcvt.f32.s32 v29  }
0x3e: {  	v49 =	vld [tilespmem:$0x630];
	v50 =	vtrunc.f32 v36;
	v34 =	vcvt.f32.s32 v32;
	[tilespmem:$0x200] =	vst v28  }
0x3f: {  	v52 =	vld [tilespmem:$0x640];
	v53 =	vtrunc.f32 v39;
	v37 =	vcvt.f32.s32 v35;
	[tilespmem:$0x210] =	vst v31  }
0x40: {  	v55 =	vld [tilespmem:$0x650];
	v56 =	vtrunc.f32 v42;
	v40 =	vcvt.f32.s32 v38;
	[tilespmem:$0x220] =	vst v34  }
0x41: {  	v58 =	vld [tilespmem:$0x660];
	v57 =	vtrunc.f32 v43;
	v43 =	vcvt.f32.s32 v41;
	[tilespmem:$0x230] =	vst v37  }
0x42: {  	v60 =	vtrunc.f32 v46;
	v46 =	vcvt.f32.s32 v44;
	[tilespmem:$0x240] =	vst v40  }
0x43: {  	v63 =	vtrunc.f32 v49;
	v49 =	vcvt.f32.s32 v47;
	[tilespmem:$0x250] =	vst v43  }
0x44: {  	v14 =	vtrunc.f32 v52;
	v52 =	vcvt.f32.s32 v50;
	[tilespmem:$0x260] =	vst v46  }
0x45: {  	v17 =	vtrunc.f32 v55;
	v55 =	vcvt.f32.s32 v53;
	[tilespmem:$0x270] =	vst v49  }
0x46: {  	v20 =	vtrunc.f32 v58;
	v58 =	vcvt.f32.s32 v56;
	[tilespmem:$0x280] =	vst v52  }
0x47: {  	v61 =	vld [tilespmem:$0x670];
	v59 =	vcvt.f32.s32 v57;
	[tilespmem:$0x290] =	vst v55  }
0x48: {  	v51 =	vld [tilespmem:$0x750];
	v62 =	vcvt.f32.s32 v60;
	[tilespmem:$0x2A0] =	vst v58  }
0x49: {  	v54 =	vld [tilespmem:$0x760];
	v13 =	vcvt.f32.s32 v63;
	[tilespmem:$0x190] =	vst v59  }
0x4a: {  	v45 =	vld [tilespmem:$0x730];
	v16 =	vcvt.f32.s32 v14;
	[tilespmem:$0x1A0] =	vst v62  }
0x4b: {  	v48 =	vld [tilespmem:$0x740];
	v19 =	vcvt.f32.s32 v17;
	[tilespmem:$0x1B0] =	vst v13  }
0x4c: {  	v23 =	vtrunc.f32 v61;
	v22 =	vcvt.f32.s32 v20;
	v57 =	vld [tilespmem:$0x770];
	[tilespmem:$0x1C0] =	vst v16  }
0x4d: {  	v12 =	vtrunc.f32 v51;
	v25 =	vcvt.f32.s32 v23;
	v60 =	vld [tilespmem:$0x780];
	[tilespmem:$0x1D0] =	vst v19  }
0x4e: {  	v15 =	vtrunc.f32 v54;
	v63 =	vld [tilespmem:$0x790];
	v14 =	vcvt.f32.s32 v12;
	[tilespmem:$0x1E0] =	vst v22  }
0x4f: {  	v17 =	vcvt.f32.s32 v15;
	v28 =	vld [tilespmem:$0x7F0];
	[tilespmem:$0x1F0] =	vst v25;
	v59 =	vtrunc.f32 v45  }
0x50: {  	v31 =	vld [tilespmem:$0x800];
	v62 =	vtrunc.f32 v48;
	[tilespmem:$0x2D0] =	vst v14;
	v61 =	vcvt.f32.s32 v59  }
0x51: {  	v34 =	vld [tilespmem:$0x810];
	[tilespmem:$0x2E0] =	vst v17;
	v11 =	vcvt.f32.s32 v62;
	v18 =	vtrunc.f32 v57  }
0x52: {  	v37 =	vld [tilespmem:$0x820];
	[tilespmem:$0x2B0] =	vst v61;
	v21 =	vtrunc.f32 v60;
	v20 =	vcvt.f32.s32 v18  }
0x53: {  	v40 =	vld [tilespmem:$0x830];
	[tilespmem:$0x2C0] =	vst v11;
	v24 =	vtrunc.f32 v63;
	v23 =	vcvt.f32.s32 v21  }
0x54: {  	v43 =	vld [tilespmem:$0x840];
	v42 =	vtrunc.f32 v28;
	v26 =	vcvt.f32.s32 v24;
	[tilespmem:$0x2F0] =	vst v20  }
0x55: {  	v46 =	vld [tilespmem:$0x850];
	v45 =	vtrunc.f32 v31;
	v44 =	vcvt.f32.s32 v42;
	[tilespmem:$0x300] =	vst v23  }
0x56: {  	v49 =	vld [tilespmem:$0x860];
	v48 =	vtrunc.f32 v34;
	v47 =	vcvt.f32.s32 v45;
	[tilespmem:$0x310] =	vst v26  }
0x57: {  	v52 =	vld [tilespmem:$0x870];
	v51 =	vtrunc.f32 v37;
	v50 =	vcvt.f32.s32 v48;
	[tilespmem:$0x370] =	vst v44  }
0x58: {  	v13 =	vld [tilespmem:$0x7A0];
	v54 =	vtrunc.f32 v40;
	v53 =	vcvt.f32.s32 v51;
	[tilespmem:$0x380] =	vst v47  }
0x59: {  	v16 =	vld [tilespmem:$0x7B0];
	v55 =	vcvt.f32.s32 v54;
	v56 =	vtrunc.f32 v43;
	[tilespmem:$0x390] =	vst v50  }
0x5a: {  	v19 =	vld [tilespmem:$0x7C0];
	v58 =	vtrunc.f32 v46;
	v57 =	vcvt.f32.s32 v56;
	[tilespmem:$0x3A0] =	vst v53  }
0x5b: {  	v22 =	vld [tilespmem:$0x7D0];
	v60 =	vtrunc.f32 v49;
	v59 =	vcvt.f32.s32 v58;
	[tilespmem:$0x3B0] =	vst v55  }
0x5c: {  	v25 =	vld [tilespmem:$0x7E0];
	v62 =	vtrunc.f32 v52;
	v61 =	vcvt.f32.s32 v60;
	[tilespmem:$0x3C0] =	vst v57  }
0x5d: {  	v27 =	vtrunc.f32 v13;
	v63 =	vcvt.f32.s32 v62;
	[tilespmem:$0x3D0] =	vst v59  }
0x5e: {  	v30 =	vtrunc.f32 v16;
	v29 =	vcvt.f32.s32 v27;
	[tilespmem:$0x3E0] =	vst v61  }
0x5f: {  	v33 =	vtrunc.f32 v19;
	v32 =	vcvt.f32.s32 v30;
	[tilespmem:$0x3F0] =	vst v63  }
0x60: {  	v36 =	vtrunc.f32 v22;
	v35 =	vcvt.f32.s32 v33;
	[tilespmem:$0x320] =	vst v29  }
0x61: {  	v39 =	vtrunc.f32 v25;
	v38 =	vcvt.f32.s32 v36;
	[tilespmem:$0x330] =	vst v32  }
0x62: {  	v41 =	vcvt.f32.s32 v39;
	[tilespmem:$0x340] =	vst v35  }
0x63: {  	[tilespmem:$0x350] =	vst v38  }
0x64: {  	s14 =	simm.s32 $0xFFFFFFFC;
	s15 =	simm.s32 $0x20;
	[tilespmem:$0x360] =	vst v41  }
.LBB2_2:
0x65: {  	v1 =	vld [tilespmem:s15+$0xFFFFFFE0];
	_ =	sdelay $0x4  }
0x66: {  	(xrf1) =	vunique.msk.u32 $0xffff, v1;
	_ =	sdelay $0xd  }
0x67: {  	_, v2, vm0 =	vpop (xrf1);
	_ =	sdelay $0x3  }
0x68: {  	v2 =	vcvt.s32.f32 v2;
	_ =	sdelay $0x1  }
0x69: {  	[tilespmem:v1+s10+$0x0] =	vst.idx.add.f32.msk vm0, v2  }
0x6a: {  	v1 =	vld [tilespmem:s15+$0xFFFFFFF0];
	_ =	sdelay $0x4  }
0x6b: {  	(xrf1) =	vunique.msk.u32 $0xffff, v1;
	_ =	sdelay $0xd  }
0x6c: {  	_, v2, vm0 =	vpop (xrf1);
	_ =	sdelay $0x3  }
0x6d: {  	v2 =	vcvt.s32.f32 v2;
	_ =	sdelay $0x1  }
0x6e: {  	[tilespmem:v1+s10+$0x0] =	vst.idx.add.f32.msk vm0, v2  }
0x6f: {  	v1 =	vld [tilespmem:s15+$0x0];
	_ =	sdelay $0x4  }
0x70: {  	(xrf1) =	vunique.msk.u32 $0xffff, v1;
	_ =	sdelay $0xd  }
0x71: {  	_, v2, vm0 =	vpop (xrf1);
	_ =	sdelay $0x3  }
0x72: {  	v2 =	vcvt.s32.f32 v2;
	_ =	sdelay $0x1  }
0x73: {  	[tilespmem:v1+s10+$0x0] =	vst.idx.add.f32.msk vm0, v2  }
0x74: {  	v1 =	vld [tilespmem:s15+$0x10];
	_ =	sdelay $0x4  }
0x75: {  	(xrf1) =	vunique.msk.u32 $0xffff, v1;
	_ =	sdelay $0xd  }
0x76: {  	s14 =	sadd.s32 $0x4, s14;
	_, v2, vm0 =	vpop (xrf1)  }
0x77: {  	p0 =	slt.u32 s14, $0x3C  }
.Ltmp0:
0x78: {  	_ = 	snop;
	(pc) =	sbr.rel @p0 .LBB2_2-.Ltmp0, $3  }
0x79: {  	_ = 	snop  }
0x7a: {  	v2 =	vcvt.s32.f32 v2;
	_ =	sdelay $0x1  }
0x7b: {  	s15 =	sadd.s32 $0x40, s15;
	[tilespmem:v1+s10+$0x0] =	vst.idx.add.f32.msk vm0, v2  }
0x7c: {  	[spmem:s5] =	stream.linear.scatter [tilespmem:s10], [sflag:$0x2], $0x80, $0x38;
	[tilespmem:$0x1180] =	vst v63  }
0x7d: {  	_ =	swait.ge [sflag:s11], $0x80  }
0x7e: {  	[sflag:s11] =	ssyncset.done $0x0  }
0x7f: {  	[sflag:s11] =	ssyncadd.s32 $0xFFFFFF80  }
0x80: {  	[bflag:$0x0] =	sbarrier.arrive $0xFFFF  }
0x81: {  	[tilespmem:s12], [sflag:$0x2] =	stream.linear.gather [spmem:s1], $0x800, $0x38;
	[tilespmem:$0x1180] =	vst v63  }
0x82: {  	_ =	swait.ge [sflag:s11], $0x800  }
0x83: {  	[sflag:s11] =	ssyncset.done $0x0  }
0x84: {  	[sflag:s11] =	ssyncadd.s32 $0xFFFFF800  }
0x85: {  	v1 =	vld [tilespmem:$0x900]  }
0x86: {  	v2 =	vld [tilespmem:$0x980]  }
0x87: {  	v3 =	vld [tilespmem:$0xA00]  }
0x88: {  	v4 =	vld [tilespmem:$0xA80]  }
0x89: {  	v10 =	vld [tilespmem:$0xB00]  }
0x8a: {  	v11 =	vld [tilespmem:$0xB80]  }
0x8b: {  	v12 =	vld [tilespmem:$0xC00]  }
0x8c: {  	v13 =	vld [tilespmem:$0xC80]  }
0x8d: {  	v15 =	vld [tilespmem:$0xD00]  }
0x8e: {  	v17 =	vld [tilespmem:$0xD80]  }
0x8f: {  	v19 =	vld [tilespmem:$0xE00]  }
0x90: {  	v0 =	vld [tilespmem:$0xE80]  }
0x91: {  	v44 =	vld [tilespmem:$0xF00]  }
0x92: {  	v45 =	vld [tilespmem:$0xF80]  }
0x93: {  	v46 =	vld [tilespmem:$0x1000]  }
0x94: {  	v47 =	vld [tilespmem:$0x1080]  }
0x95: {  	v6 =	vld [tilespmem:$0x910]  }
0x96: {  	v8 =	vld [tilespmem:$0x990]  }
0x97: {  	v20 =	vld [tilespmem:$0xA10]  }
0x98: {  	v21 =	vld [tilespmem:$0xA90]  }
0x99: {  	v22 =	vld [tilespmem:$0xB10]  }
0x9a: {  	v23 =	vld [tilespmem:$0xB90]  }
0x9b: {  	v24 =	vld [tilespmem:$0xC10]  }
0x9c: {  	v25 =	vld [tilespmem:$0xC90]  }
0x9d: {  	v26 =	vld [tilespmem:$0xD10]  }
0x9e: {  	v27 =	vld [tilespmem:$0xD90]  }
0x9f: {  	v28 =	vld [tilespmem:$0xE10]  }
0xa0: {  	v29 =	vld [tilespmem:$0xE90]  }
0xa1: {  	v30 =	vld [tilespmem:$0xF10]  }
0xa2: {  	v32 =	vld [tilespmem:$0xF90]  }
0xa3: {  	v48 =	vld [tilespmem:$0x1010]  }
0xa4: {  	v49 =	vld [tilespmem:$0x1090]  }
0xa5: {  	v9 =	vld [tilespmem:$0x920]  }
0xa6: {  	v34 =	vld [tilespmem:$0x9A0]  }
0xa7: {  	v35 =	vld [tilespmem:$0xA20]  }
0xa8: {  	v36 =	vld [tilespmem:$0xAA0]  }
0xa9: {  	v37 =	vld [tilespmem:$0xB20]  }
0xaa: {  	v38 =	vld [tilespmem:$0xBA0]  }
0xab: {  	v39 =	vld [tilespmem:$0xC20]  }
0xac: {  	v40 =	vld [tilespmem:$0xCA0]  }
0xad: {  	v41 =	vld [tilespmem:$0xD20]  }
0xae: {  	v42 =	vld [tilespmem:$0xDA0]  }
0xaf: {  	v43 =	vld [tilespmem:$0xE20]  }
0xb0: {  	v50 =	vld [tilespmem:$0x9B0]  }
0xb1: {  	v51 =	vld [tilespmem:$0xA30]  }
0xb2: {  	v52 =	vld [tilespmem:$0xAB0]  }
0xb3: {  	v53 =	vld [tilespmem:$0xB30]  }
0xb4: {  	v54 =	vld [tilespmem:$0xBB0]  }
0xb5: {  	v55 =	vld [tilespmem:$0xC30]  }
0xb6: {  	v56 =	vld [tilespmem:$0xCB0]  }
0xb7: {  	v57 =	vld [tilespmem:$0xD30]  }
0xb8: {  	v58 =	vld [tilespmem:$0xDB0]  }
0xb9: {  	v59 =	vld [tilespmem:$0xE30]  }
0xba: {  	v60 =	vld [tilespmem:$0xEB0]  }
0xbb: {  	v61 =	vld [tilespmem:$0xF30]  }
0xbc: {  	v62 =	vld [tilespmem:$0xFB0]  }
0xbd: {  	v63 =	vld [tilespmem:$0x1030]  }
0xbe: {  	v7 =	vld [tilespmem:$0x10B0]  }
0xbf: {  	v5 =	vld [tilespmem:$0x940]  }
0xc0: {  	v14 =	vld [tilespmem:$0xA40]  }
0xc1: {  	v16 =	vld [tilespmem:$0xAC0]  }
0xc2: {  	v18 =	vld [tilespmem:$0xB40]  }
0xc3: {  	v31 =	vld [tilespmem:$0xBC0]  }
0xc4: {  	v33 =	vld [tilespmem:$0xC40]  }
0xc5: {  	[tilespmem:$0x1FF90] =	vst v44;
	v44 =	vld [tilespmem:$0xEA0]  }
0xc6: {  	[tilespmem:$0x1FFA0] =	vst v45;
	v45 =	vld [tilespmem:$0xF20]  }
0xc7: {  	[tilespmem:$0x1FFB0] =	vst v46;
	v46 =	vld [tilespmem:$0xFA0]  }
0xc8: {  	[tilespmem:$0x1FFD0] =	vst v47;
	v47 =	vld [tilespmem:$0x1020]  }
0xc9: {  	[tilespmem:$0x1FFC0] =	vst v48;
	v48 =	vld [tilespmem:$0x10A0]  }
0xca: {  	[tilespmem:$0x1FFE0] =	vst v49;
	v49 =	vld [tilespmem:$0x930]  }
0xcb: {  	[tilespmem:$0x1FF80] =	vst v0;
	v0 =	vld [tilespmem:$0x9C0]  }
0xcc: {  	v1 =	vadd.f32 v2, v1;
	v2 =	vld [tilespmem:$0xCC0]  }
0xcd: {  	v6 =	vadd.f32 v8, v6;
	v8 =	vld [tilespmem:$0xD40]  }
0xce: {  	[tilespmem:$0x1FFF0] =	vst v33;
	v33 =	vld [tilespmem:$0xED0]  }
0xcf: {  	v1 =	vadd.f32 v3, v1;
	v3 =	vadd.f32 v34, v9;
	v9 =	vld [tilespmem:$0xDC0]  }
0xd0: {  	v34 =	vadd.f32 v20, v6;
	v20 =	vld [tilespmem:$0xE40]  }
0xd1: {  	v6 =	vld [tilespmem:$0xEC0]  }
0xd2: {  	v1 =	vadd.f32 v4, v1;
	v3 =	vadd.f32 v35, v3;
	v4 =	vld [tilespmem:$0xF40]  }
0xd3: {  	v21 =	vadd.f32 v21, v34;
	v34 =	vld [tilespmem:$0x9D0]  }
0xd4: {  	v35 =	vadd.f32 v36, v3;
	v3 =	vld [tilespmem:$0xFC0]  }
0xd5: {  	v49 =	vadd.f32 v50, v49;
	v1 =	vadd.f32 v10, v1;
	v10 =	vld [tilespmem:$0x1040]  }
0xd6: {  	v36 =	vld [tilespmem:$0x10D0]  }
0xd7: {  	v21 =	vadd.f32 v22, v21;
	v50 =	vadd.f32 v51, v49;
	v49 =	vld [tilespmem:$0x970]  }
0xd8: {  	v11 =	vadd.f32 v11, v1;
	v1 =	vld [tilespmem:$0x10C0]  }
0xd9: {  	v0 =	vadd.f32 v0, v5;
	v21 =	vadd.f32 v23, v21;
	v23 =	vld [tilespmem:$0x950]  }
0xda: {  	v51 =	vadd.f32 v52, v50;
	v52 =	vadd.f32 v37, v35;
	v35 =	vld [tilespmem:$0xFD0]  }
0xdb: {  	v50 =	vld [tilespmem:$0x1FFD0]  }
0xdc: {  	v0 =	vadd.f32 v14, v0;
	v37 =	vld [tilespmem:$0xC60]  }
0xdd: {  	v21 =	vadd.f32 v24, v21;
	v24 =	vld [tilespmem:$0xA50]  }
0xde: {  	v0 =	vadd.f32 v16, v0;
	v22 =	vadd.f32 v53, v51;
	v51 =	vld [tilespmem:$0x9F0]  }
0xdf: {  	v11 =	vadd.f32 v12, v11;
	v53 =	vadd.f32 v38, v52;
	v52 =	vld [tilespmem:$0x1FFE0]  }
0xe0: {  	v0 =	vadd.f32 v18, v0;
	v38 =	vld [tilespmem:$0xC70]  }
0xe1: {  	v11 =	vadd.f32 v13, v11;
	v13 =	vld [tilespmem:$0xAD0];
	v22 =	vadd.f32 v54, v22  }
0xe2: {  	v21 =	vadd.f32 v25, v21;
	v25 =	vld [tilespmem:$0xB50];
	v12 =	vadd.f32 v39, v53  }
0xe3: {  	v53 =	vld [tilespmem:$0xA60];
	v22 =	vadd.f32 v55, v22  }
0xe4: {  	v54 =	vld [tilespmem:$0xA70];
	v0 =	vadd.f32 v31, v0;
	v12 =	vadd.f32 v40, v12  }
0xe5: {  	v39 =	vld [tilespmem:$0xCE0];
	v21 =	vadd.f32 v26, v21;
	v22 =	vadd.f32 v56, v22  }
0xe6: {  	v11 =	vadd.f32 v15, v11;
	v15 =	vld [tilespmem:$0xBD0];
	v12 =	vadd.f32 v41, v12  }
0xe7: {  	v40 =	vld [tilespmem:$0x1FFF0];
	v21 =	vadd.f32 v27, v21;
	v22 =	vadd.f32 v57, v22  }
0xe8: {  	v26 =	vld [tilespmem:$0xC50];
	v11 =	vadd.f32 v17, v11;
	v12 =	vadd.f32 v42, v12  }
0xe9: {  	v17 =	vld [tilespmem:$0xCD0];
	v21 =	vadd.f32 v28, v21;
	v22 =	vadd.f32 v58, v22  }
0xea: {  	v55 =	vadd.f32 v34, v23;
	v27 =	vld [tilespmem:$0xD50];
	v12 =	vadd.f32 v43, v12  }
0xeb: {  	v56 =	vld [tilespmem:$0xAE0];
	v21 =	vadd.f32 v29, v21;
	v22 =	vadd.f32 v59, v22  }
0xec: {  	v0 =	vadd.f32 v40, v0;
	v58 =	vld [tilespmem:$0x1FF80];
	v12 =	vadd.f32 v44, v12  }
0xed: {  	v21 =	vadd.f32 v30, v21;
	v59 =	vld [tilespmem:$0x1FF90];
	v22 =	vadd.f32 v60, v22  }
0xee: {  	v0 =	vadd.f32 v2, v0;
	v12 =	vadd.f32 v45, v12;
	v45 =	vld [tilespmem:$0x9E0]  }
0xef: {  	v11 =	vadd.f32 v19, v11;
	v22 =	vadd.f32 v61, v22;
	v61 =	vld [tilespmem:$0x960]  }
0xf0: {  	v41 =	vld [tilespmem:$0xCF0];
	v21 =	vadd.f32 v32, v21;
	v0 =	vadd.f32 v8, v0  }
0xf1: {  	v60 =	vld [tilespmem:$0x1FFA0];
	v11 =	vadd.f32 v58, v11;
	v22 =	vadd.f32 v62, v22  }
0xf2: {  	v19 =	vld [tilespmem:$0xDD0];
	v0 =	vadd.f32 v9, v0;
	v12 =	vadd.f32 v46, v12  }
0xf3: {  	v58 =	vld [tilespmem:$0xAF0];
	v11 =	vadd.f32 v59, v11;
	v22 =	vadd.f32 v63, v22  }
0xf4: {  	v44 =	vld [tilespmem:$0x1FFB0];
	v59 =	vadd.f32 v51, v49;
	v57 =	vadd.f32 v45, v61  }
0xf5: {  	v61 =	vld [tilespmem:$0xB70];
	v7 =	vadd.f32 v7, v22;
	v22 =	vadd.f32 v24, v55  }
0xf6: {  	v11 =	vadd.f32 v60, v11;
	v60 =	vld [tilespmem:$0xB60];
	v5 =	vadd.f32 v54, v59  }
0xf7: {  	v63 =	vld [tilespmem:$0xBF0];
	v14 =	vadd.f32 v53, v57;
	v13 =	vadd.f32 v13, v22  }
0xf8: {  	v0 =	vadd.f32 v20, v0;
	v62 =	vld [tilespmem:$0xBE0];
	v5 =	vadd.f32 v58, v5  }
0xf9: {  	v46 =	vld [tilespmem:$0x1FFC0];
	v14 =	vadd.f32 v56, v14;
	v13 =	vadd.f32 v25, v13  }
0xfa: {  	v28 =	vld [tilespmem:$0xE50];
	v12 =	vadd.f32 v47, v12;
	v5 =	vadd.f32 v61, v5  }
0xfb: {  	v42 =	vld [tilespmem:$0xD60];
	v14 =	vadd.f32 v60, v14;
	v13 =	vadd.f32 v15, v13  }
0xfc: {  	v29 =	vld [tilespmem:$0xF50];
	v11 =	vadd.f32 v44, v11;
	v5 =	vadd.f32 v63, v5  }
0xfd: {  	v44 =	vld [tilespmem:$0xD70];
	v14 =	vadd.f32 v62, v14;
	v13 =	vadd.f32 v26, v13  }
0xfe: {  	v30 =	vld [tilespmem:$0x1050];
	v21 =	vadd.f32 v46, v21;
	v5 =	vadd.f32 v38, v5  }
0xff: {  	v46 =	vld [tilespmem:$0xDF0];
	v43 =	vadd.f32 v37, v14;
	v13 =	vadd.f32 v17, v13  }
0x100: {  	v12 =	vadd.f32 v48, v12;
	v45 =	vld [tilespmem:$0xDE0];
	v5 =	vadd.f32 v41, v5  }
0x101: {  	v48 =	vld [tilespmem:$0xE70];
	v2 =	vadd.f32 v39, v43;
	v13 =	vadd.f32 v27, v13  }
0x102: {  	v47 =	vld [tilespmem:$0xE60];
	v11 =	vadd.f32 v50, v11;
	v5 =	vadd.f32 v44, v5  }
0x103: {  	v50 =	vld [tilespmem:$0xEF0];
	v2 =	vadd.f32 v42, v2;
	v13 =	vadd.f32 v19, v13  }
0x104: {  	v49 =	vld [tilespmem:$0xEE0];
	v21 =	vadd.f32 v52, v21;
	v5 =	vadd.f32 v46, v5  }
0x105: {  	v52 =	vld [tilespmem:$0xF70];
	v2 =	vadd.f32 v45, v2;
	v13 =	vadd.f32 v28, v13  }
0x106: {  	v51 =	vld [tilespmem:$0xF60];
	v0 =	vadd.f32 v6, v0;
	v5 =	vadd.f32 v48, v5  }
0x107: {  	v54 =	vld [tilespmem:$0xFF0];
	v2 =	vadd.f32 v47, v2;
	v13 =	vadd.f32 v33, v13  }
0x108: {  	v0 =	vadd.f32 v4, v0;
	v53 =	vld [tilespmem:$0xFE0];
	v5 =	vadd.f32 v50, v5  }
0x109: {  	v56 =	vld [tilespmem:$0x1070];
	v2 =	vadd.f32 v49, v2;
	v13 =	vadd.f32 v29, v13  }
0x10a: {  	v55 =	vld [tilespmem:$0x1060];
	v0 =	vadd.f32 v3, v0;
	v5 =	vadd.f32 v52, v5  }
0x10b: {  	v59 =	vld [tilespmem:$0x10F0];
	v2 =	vadd.f32 v51, v2;
	v57 =	vadd.f32 v35, v13  }
0x10c: {  	v58 =	vld [tilespmem:$0x10E0];
	[tilespmem:$0x8A0] =	vst v12;
	v0 =	vadd.f32 v10, v0;
	v4 =	vadd.f32 v54, v5  }
0x10d: {  	[tilespmem:$0x8B0] =	vst v7;
	v2 =	vadd.f32 v53, v2;
	v8 =	vadd.f32 v30, v57  }
0x10e: {  	[tilespmem:$0x880] =	vst v11;
	v0 =	vadd.f32 v1, v0;
	v3 =	vadd.f32 v56, v4  }
0x10f: {  	[tilespmem:$0x890] =	vst v21;
	v60 =	vadd.f32 v55, v2;
	v61 =	vadd.f32 v36, v8  }
0x110: {  	[tilespmem:$0x8C0] =	vst v0;
	v63 =	vadd.f32 v59, v3  }
0x111: {  	s13 =	sadd.s32 $0x1, s13;
	v62 =	vadd.f32 v58, v60;
	[tilespmem:$0x8D0] =	vst v61  }
0x112: {  	p0 =	sne.s32 s13, s7;
	[tilespmem:$0x8F0] =	vst v63  }
.Ltmp1:
0x113: {  	[tilespmem:$0x8E0] =	vst v62;
	(pc) =	sbr.rel @p0 .LBB2_1-.Ltmp1, $4  }
0x114: {  	[hbm4b:s6+s2] =	stream.linear.scatter [tilespmem:s10], [sflag:$0x2], $0x80, $0x38;
	[tilespmem:$0x1180] =	vst v63  }
0x115: {  	_ =	swait.ge [sflag:s11], $0x80  }
0x116: {  	[sflag:s11] =	ssyncset.done $0x0  }
0x117: {  	[sflag:s11] =	ssyncadd.s32 $0xFFFFFF80  }
0x118: {  	_ =	sfence.sel $0x180000  }
0x119: {  	[bflag:$0x0] =	sbarrier.arrive $0xFFFF  }
0x11a: {  	p0 =	sne.s32 s3, $0x0;
	_ =	strace $0x90000047  }
0x11b: {  	s0 =	sadd.s32 @!p0 $0x100000, s0;
	[bflag:$0x2] =	sbarrier.arrive $0xFFFF  }
0x11c: {  	[sflag:s0] =	ssyncadd.tile.s32 @!p0 $0x1;
	_ =	shalt  }
.Lfunc_end2:
_tile_overlayer_lowered:
.L_overlay_start_2:
0x11d: {  	(tag) =	ssettag $0x2  }
0x11e: {  	s0 =	rddreg [dreg:$0x0];
	s2 =	stileid.u32  }
0x11f: {  	s1 =	rddreg [dreg:$0x1];
	p0 =	sne.s32 s2, $0x0  }
0x120: {  	s3 =	rddreg [dreg:$0x2];
	[bflag:$0x3] =	sbarrier.arrive $0xFFFF;
	s2 =	simm.s32 @!p0 $0x1C02  }
0x121: {  	[timem:s3], [sflag:s2] =	dma.local @!p0 [hbm:s0], s1  }
0x122: {  	s0 =	simm.s32 @!p0 $0x2  }
0x123: {  	_ =	swait.ge @!p0 [sflag:s0], s1  }
0x124: {  	s1 =	ssub.s32 @!p0 $0x0, s1;
	[sflag:s0] =	ssyncset.done @!p0 $0x0  }
0x125: {  	[sflag:s0] =	ssyncadd.s32 @!p0 s1  }
0x126: {  	[bflag:$0x3] =	sbarrier.arrive $0xFFFF  }
0x127: {  	_ =	shalt  }

</sc_bundles>
